<compile_context>
chip_gen: v7x
topology: tpu7x:2x2x1
jax: 0.10.2.dev20260603
libtpu: 0.0.44.dev20260713+nightly
codegen_flags: <defaults>
</compile_context>

<pallas_src>
import functools

import jax
import jax.numpy as jnp
import numpy as np
from jax import lax
from jax.experimental import pallas as pl
from jax.experimental.pallas import tpu as pltpu
from jax.experimental.pallas import tpu_sc as plsc

B = 32
V = 1_000_000
VPAD = 1 << 20
C = 16384
NC = VPAD // C
CUTOFF = np.float32(0.9)

_I32 = jnp.int32
_TINY = np.float32(np.finfo(np.float32).tiny)


def _rotl(x, r):
  return lax.shift_left(x, np.int32(r)) | lax.shift_right_logical(
      x, np.int32(32 - r))


def _threefry_bits(x1):
  ks0 = np.int32(0)
  ks1 = np.int32(42)
  ks2 = np.int32(np.uint32(0 ^ 42 ^ 0x1BD11BDA).astype(np.int32))
  r0 = (13, 15, 26, 6)
  r1 = (17, 29, 16, 24)

  x0 = jnp.full_like(x1, ks0)
  x1 = x1 + ks1

  def rounds(x0, x1, rots):
    for r in rots:
      x0 = x0 + x1
      x1 = _rotl(x1, r)
      x1 = x0 ^ x1
    return x0, x1

  x0, x1 = rounds(x0, x1, r0)
  x0, x1 = x0 + ks1, x1 + ks2 + np.int32(1)
  x0, x1 = rounds(x0, x1, r1)
  x0, x1 = x0 + ks2, x1 + ks0 + np.int32(2)
  x0, x1 = rounds(x0, x1, r0)
  x0, x1 = x0 + ks0, x1 + ks1 + np.int32(3)
  x0, x1 = rounds(x0, x1, r1)
  x0, x1 = x0 + ks1, x1 + ks2 + np.int32(4)
  x0, x1 = rounds(x0, x1, r0)
  x0, x1 = x0 + ks2, x1 + ks0 + np.int32(5)
  return x0 ^ x1


def _gumbel(flat_idx_i32):
  bits = _threefry_bits(flat_idx_i32)
  fb = lax.shift_right_logical(bits, np.int32(9)) | np.int32(0x3F800000)
  f = lax.bitcast_convert_type(fb, jnp.float32) - np.float32(1.0)
  u = jnp.maximum(_TINY, f + _TINY)
  return -jnp.log(-jnp.log(u))


def _sample_body(sv_ref, out_ref, state):
  r = pl.program_id(0)
  p = pl.program_id(1)
  c = pl.program_id(2)

  rows = C // 128
  jj = (c * C + jax.lax.broadcasted_iota(_I32, (rows, 128), 0) * 128
        + jax.lax.broadcasted_iota(_I32, (rows, 128), 1))
  valid = jj < V
  v = jnp.where(valid, sv_ref[0], np.float32(0.0))

  x = v
  ri = jax.lax.broadcasted_iota(_I32, (rows, rows), 0)
  ci = jax.lax.broadcasted_iota(_I32, (rows, rows), 1)
  lstrict = (ri > ci).astype(jnp.float32)
  li = jax.lax.broadcasted_iota(_I32, (128, 128), 0)
  lj = jax.lax.broadcasted_iota(_I32, (128, 128), 1)
  ut = (li <= lj).astype(jnp.float32)
  lanecum = jax.lax.dot_general(
      x, ut, (((1,), (0,)), ((), ())), preferred_element_type=jnp.float32)
  sub = jax.lax.dot_general(
      lstrict, x, (((1,), (0,)), ((), ())), preferred_element_type=jnp.float32)
  cum_in = lanecum + jnp.sum(sub, axis=1, keepdims=True)

  @pl.when((p == 0) & (c == 0))
  def _():
    state[0] = np.float32(0.0)
    state[1] = np.float32(0.0)

  @pl.when(p == 0)
  def _():
    carry = state[0]
    cum = cum_in + carry
    kept = cum <= CUTOFF
    state[1] = state[1] + jnp.sum(jnp.where(kept, v, np.float32(0.0)))
    state[0] = carry + jnp.sum(v)

  @pl.when((p == 1) & (c == 0))
  def _():
    state[2] = np.float32(-np.inf)
    state[3] = np.float32(2.0e9)
    state[0] = np.float32(0.0)

  @pl.when(p == 1)
  def _():
    carry = state[0]
    total = jnp.maximum(state[1], np.float32(1e-10))
    cum = cum_in + carry
    kept = cum <= CUTOFF
    w = jnp.where(kept, v / total, np.float32(0.0))
    flat = r * np.int32(V) + jj
    g = _gumbel(flat)
    s = jnp.log(w + np.float32(1e-10)) + g
    s = jnp.where(valid, s, np.float32(-np.inf))
    m = jnp.max(s)
    jl = jnp.min(jnp.where(s == m, jj, np.int32(2**31 - 1))).astype(jnp.float32)
    best = state[2]
    bestj = state[3]
    better = (m > best) | ((m == best) & (jl < bestj))
    state[2] = jnp.where(better, m, best)
    state[3] = jnp.where(better, jl, bestj)
    state[0] = carry + jnp.sum(v)

  @pl.when((p == 1) & (c == NC - 1))
  def _():
    out_ref[0, r] = state[3].astype(_I32)


def _sample_rank(svals):
  sv3 = svals.reshape(B * NC, C // 128, 128)
  out = pl.pallas_call(
      _sample_body,
      grid=(B, 2, NC),
      in_specs=[
          pl.BlockSpec((1, C // 128, 128), lambda r, p, c: (r * NC + c, 0, 0))
      ],
      out_specs=pl.BlockSpec(memory_space=pltpu.SMEM),
      out_shape=jax.ShapeDtypeStruct((1, B), _I32),
      scratch_shapes=[pltpu.SMEM((8,), jnp.float32)],
  )(sv3)
  return out[0]



W = 20000
NWIN = V // W
NV = W // 16
RADIX = 2048
NHV = RADIX // 16


def _digit(k, shift):
  return lax.shift_right_logical(k, np.int32(shift)) & np.int32(0x7FF)


def _sc_sort_body(keys_hbm, skeys, sidx, bka, bia, bkb, bib,
                  kbuf, ibuf, wk, wi, pos, ha, hb, lhist, lpre, lrun, sem):
  row = lax.axis_index("s") * 2 + lax.axis_index("c")
  rbase = row * V
  rbase_pad = row * VPAD

  ones = jnp.ones((16,), _I32)
  zeros = jnp.zeros((16,), _I32)
  iota = lax.iota(_I32, 16)

  cnt_cal, _ = plsc.scan_count(zeros)
  cntbase = jnp.min(cnt_cal)
  cs_cal = plsc.cumsum(ones)
  csoff = np.int32(1) - jnp.min(cs_cal)

  def zero_hist(h):
    def zb(i, _):
      h[pl.ds(i * 16, 16)] = zeros
      return 0
    lax.fori_loop(0, NHV, zb, 0)

  def prefix_hist(h):
    def pb(i, carry):
      hv = h[pl.ds(i * 16, 16)]
      incl = plsc.cumsum(hv) + csoff * hv
      h[pl.ds(i * 16, 16)] = incl - hv + carry
      return carry + jnp.sum(hv)
    lax.fori_loop(0, NHV, pb, np.int32(0))

  zero_hist(ha)

  def hist_bump(h, d):
    cnt, last = plsc.scan_count(d)
    hv = plsc.load_gather(h, [d])
    plsc.store_scatter(h, [d], hv + (cnt - cntbase) + 1, mask=last)

  def hist0_win(win, _):
    pltpu.sync_copy(keys_hbm.at[pl.ds(rbase + win * W, W)], kbuf)
    def body(t, _):
      k = kbuf[pl.ds(t * 16, 16)]
      hist_bump(ha, _digit(k, 0))
      return 0
    lax.fori_loop(0, NV, body, 0)
    return 0
  lax.fori_loop(0, NWIN, hist0_win, 0)

  def permute_pass(shift, src_k, src_i, dst_k, dst_i, hcur, hnxt, nshift,
                   dst_base, invert_out=False):
    if hnxt is not None:
      zero_hist(hnxt)

    def win_body(win, _):
      pltpu.sync_copy(src_k.at[pl.ds(rbase + win * W, W)], kbuf)
      if src_i is not None:
        pltpu.sync_copy(src_i.at[pl.ds(rbase + win * W, W)], ibuf)

      zero_hist(lhist)

      def body_a(t, _):
        k = kbuf[pl.ds(t * 16, 16)]
        hist_bump(lhist, _digit(k, shift))
        if hnxt is not None:
          hist_bump(hnxt, _digit(k, nshift))
        return 0
      lax.fori_loop(0, NV, body_a, 0)

      def body_p(i, carry):
        hv = lhist[pl.ds(i * 16, 16)]
        incl = plsc.cumsum(hv) + csoff * hv
        excl = incl - hv + carry
        lpre[pl.ds(i * 16, 16)] = excl
        lrun[pl.ds(i * 16, 16)] = excl
        return carry + jnp.sum(hv)
      lax.fori_loop(0, NHV, body_p, np.int32(0))

      def body_b(t, _):
        k = kbuf[pl.ds(t * 16, 16)]
        d = _digit(k, shift)
        lb = plsc.load_gather(lrun, [d])
        cnt, last = plsc.scan_count(d)
        lp = lb + (cnt - cntbase)
        plsc.store_scatter(lrun, [d], lp + 1, mask=last)
        gfr = plsc.load_gather(hcur, [d])
        lfr = plsc.load_gather(lpre, [d])
        plsc.store_scatter(pos, [lp], gfr + (lp - lfr) + dst_base)
        kv = (k ^ np.int32(-1)) if invert_out else k
        plsc.store_scatter(wk, [lp], kv)
        iv = (win * W + t * 16 + iota) if src_i is None else ibuf[pl.ds(t * 16, 16)]
        plsc.store_scatter(wi, [lp], iv)
        return 0
      lax.fori_loop(0, NV, body_b, 0)

      def body_d(i, _):
        g = hcur[pl.ds(i * 16, 16)]
        hcur[pl.ds(i * 16, 16)] = g + lhist[pl.ds(i * 16, 16)]
        return 0
      lax.fori_loop(0, NHV, body_d, 0)

      pass
      return 0
    lax.fori_loop(0, NWIN, win_body, 0)

  prefix_hist(ha)
  permute_pass(0, keys_hbm, None, bka, bia, ha, hb, 11, rbase)
  prefix_hist(hb)
  permute_pass(11, bka, bia, bkb, bib, hb, ha, 22, rbase)
  prefix_hist(ha)
  permute_pass(22, bkb, bib, skeys, sidx, ha, None, 0, rbase_pad,
               invert_out=True)


@jax.jit
def _sc_sort(keys):
  mesh = plsc.VectorSubcoreMesh(core_axis_name="c", subcore_axis_name="s")
  f = pl.kernel(
      _sc_sort_body,
      out_type=[
          jax.ShapeDtypeStruct((B * VPAD,), _I32),
          jax.ShapeDtypeStruct((B * VPAD,), _I32),
          jax.ShapeDtypeStruct((B * V,), _I32),
          jax.ShapeDtypeStruct((B * V,), _I32),
          jax.ShapeDtypeStruct((B * V,), _I32),
          jax.ShapeDtypeStruct((B * V,), _I32),
      ],
      mesh=mesh,
      compiler_params=pltpu.CompilerParams(needs_layout_passes=False),
      scratch_types=[
          pltpu.VMEM((W,), _I32),
          pltpu.VMEM((W,), _I32),
          pltpu.VMEM((W,), _I32),
          pltpu.VMEM((W,), _I32),
          pltpu.VMEM((W,), _I32),
          pltpu.VMEM((RADIX,), _I32),
          pltpu.VMEM((RADIX,), _I32),
          pltpu.VMEM((RADIX,), _I32),
          pltpu.VMEM((RADIX,), _I32),
          pltpu.VMEM((RADIX,), _I32),
          pltpu.SemaphoreType.DMA,
      ],
  )
  skeys, sidx, *_ = f(keys.reshape(B * V))
  return skeys.reshape(B, VPAD), sidx.reshape(B, VPAD)


def _sort_descending(probs):
  keys = ~lax.bitcast_convert_type(probs, _I32)
  skeys, sidx = _sc_sort(keys)
  svals = lax.bitcast_convert_type(skeys, jnp.float32)
  return svals, sidx


def kernel(logits):
  probs = jax.nn.softmax(logits, axis=-1)
  svals, sidx = _sort_descending(probs)
  jstar = _sample_rank(svals)
  tok = jnp.take_along_axis(sidx, jstar[:, None], axis=-1)[:, 0]
  return tok

# --- scband reference (transcript-rebuilt; emitter-appended) ---
"""Pipeline reference for scband-mirostat-sampler-32384053411846 (READ-ONLY COPY).

The authoritative reference and input builder live on the scoring server;
editing this copy changes nothing except your own understanding.
"""

import jax, jax.numpy as jnp
import numpy as np


def setup_inputs(seed: int = 0) -> dict:
    key = jax.random.key(seed)
    logits = jax.random.normal(key, (32, 1000000), dtype=jnp.float32)
    return {"logits": logits}


def reference(logits):
    # Mirostat sampler forward, single call: temperature state starts at 1.0
    temperature = 1.0
    tempered_logits = logits / temperature
    probs = jax.nn.softmax(tempered_logits, axis=-1)
    # descending sort of probs with indices (torch.sort(descending=True))
    sorted_indices = jnp.argsort(-probs, axis=-1)
    sorted_probs = jnp.take_along_axis(probs, sorted_indices, axis=-1)
    cumulative_probs = jnp.cumsum(sorted_probs, axis=-1)
    cutoff_mask = cumulative_probs > 1.0 - 1.0 / (temperature * 10.0)
    truncated_probs = jnp.where(cutoff_mask, 0.0, sorted_probs)
    total = jnp.clip(jnp.sum(truncated_probs, axis=-1, keepdims=True), 1e-10, None)
    truncated_probs = truncated_probs / total
    # multinomial(1) over truncated distribution
    skey = jax.random.key(42)
    sample_idx = jax.random.categorical(skey, jnp.log(truncated_probs + 1e-10), axis=-1)
    token_idx = jnp.take_along_axis(sorted_indices, sample_idx[..., None], axis=-1).squeeze(-1)
    return token_idx

if __name__ == "__main__":
    import jax
    _d = setup_inputs()
    print(jax.jit(kernel)(*tuple(_d.values())))

</pallas_src>

<mosaic_0001>
#map = affine_map<(d0, d1) -> (0)>
module attributes {stable_mosaic.version = 14 : i64} {
  func.func @_sc_sort_body(%arg0: i32, %arg1: i32, %arg2: memref<32000000xi32, #tpu.memory_space<hbm>>, %arg3: memref<33554432xi32, #tpu.memory_space<hbm>>, %arg4: memref<33554432xi32, #tpu.memory_space<hbm>>, %arg5: memref<32000000xi32, #tpu.memory_space<hbm>>, %arg6: memref<32000000xi32, #tpu.memory_space<hbm>>, %arg7: memref<32000000xi32, #tpu.memory_space<hbm>>, %arg8: memref<32000000xi32, #tpu.memory_space<hbm>>, %arg9: memref<20000xi32, #tpu.memory_space<vmem>>, %arg10: memref<20000xi32, #tpu.memory_space<vmem>>, %arg11: memref<20000xi32, #tpu.memory_space<vmem>>, %arg12: memref<20000xi32, #tpu.memory_space<vmem>>, %arg13: memref<20000xi32, #tpu.memory_space<vmem>>, %arg14: memref<2048xi32, #tpu.memory_space<vmem>>, %arg15: memref<2048xi32, #tpu.memory_space<vmem>>, %arg16: memref<2048xi32, #tpu.memory_space<vmem>>, %arg17: memref<2048xi32, #tpu.memory_space<vmem>>, %arg18: memref<2048xi32, #tpu.memory_space<vmem>>, %arg19: memref<!tpu.dma_semaphore, #tpu.memory_space<semaphore_mem>>) attributes {dimension_semantics = [#tpu.dimension_semantics<core_parallel>, #tpu.dimension_semantics<subcore_parallel>], iteration_bounds = array<i64: 2, 16>, scalar_prefetch = 0 : i64, scratch_operands = 11 : i64, tpu.core_type = #tpu.core_type<sc_vector_subcore>, window_params = [{transform_indices = #map}, {transform_indices = #map}, {transform_indices = #map}, {transform_indices = #map}, {transform_indices = #map}, {transform_indices = #map}, {transform_indices = #map}]} {
    %mul3A = arith.constant 2 : i32
    %mul3A_0 = arith.muli %arg1, %mul3A : i32
    %add3A = arith.addi %mul3A_0, %arg0 : i32
    %mul3A_1 = arith.constant 1000000 : i32
    %mul3A_2 = arith.muli %add3A, %mul3A_1 : i32
    %mul3A_3 = arith.constant 1048576 : i32
    %mul3A_4 = arith.muli %add3A, %mul3A_3 : i32
    %broadcast_in_dim3A = arith.constant 1 : i32
    %broadcast_in_dim3A_5 = vector.broadcast %broadcast_in_dim3A : i32 to vector<16xi32>
    %broadcast_in_dim3A_6 = arith.constant 0 : i32
    %broadcast_in_dim3A_7 = vector.broadcast %broadcast_in_dim3A_6 : i32 to vector<16xi32>
    %iota3A = tpu.iota {dimensions = array<i32: 0>} : vector<16xi32>
    %broadcast_in_dim3A_8 = arith.constant true
    %broadcast_in_dim3A_9 = vector.broadcast %broadcast_in_dim3A_8 : i1 to vector<16xi1>
    %unique3A, %unique3A_10 = tpu.scan_count mask(%broadcast_in_dim3A_9 : vector<16xi1>) value(%broadcast_in_dim3A_7 : vector<16xi32>) : vector<16xi1>, vector<16xi32>
    %reduce_min3A = arith.constant true
    %reduce_min3A_11 = vector.broadcast %reduce_min3A : i1 to vector<16xi1>
    %reduce_min3A_12 = arith.constant -2147483648 : i32
    %reduce_min3A_13 = vector.broadcast %reduce_min3A_12 : i32 to vector<16xi32>
    %reduce_min3A_14 = arith.xori %unique3A_10, %reduce_min3A_13 : vector<16xi32>
    %reduce_min3A_15 = tpu.scan <min>, %reduce_min3A_14 masked %reduce_min3A_11 : vector<16xi32>, vector<16xi1> -> vector<16xi32>
    %reduce_min3A_16 = arith.xori %reduce_min3A_15, %reduce_min3A_13 : vector<16xi32>
    %reduce_min3A_17 = vector.extract %reduce_min3A_16[15] : i32 from vector<16xi32>
    %broadcast_in_dim3A_18 = arith.constant true
    %broadcast_in_dim3A_19 = vector.broadcast %broadcast_in_dim3A_18 : i1 to vector<16xi1>
    %masked_cumsum3A = tpu.scan <sum>, %broadcast_in_dim3A_5 masked %broadcast_in_dim3A_19 : vector<16xi32>, vector<16xi1> -> vector<16xi32>
    %reduce_min3A_20 = arith.constant true
    %reduce_min3A_21 = vector.broadcast %reduce_min3A_20 : i1 to vector<16xi1>
    %reduce_min3A_22 = arith.constant -2147483648 : i32
    %reduce_min3A_23 = vector.broadcast %reduce_min3A_22 : i32 to vector<16xi32>
    %reduce_min3A_24 = arith.xori %masked_cumsum3A, %reduce_min3A_23 : vector<16xi32>
    %reduce_min3A_25 = tpu.scan <min>, %reduce_min3A_24 masked %reduce_min3A_21 : vector<16xi32>, vector<16xi1> -> vector<16xi32>
    %reduce_min3A_26 = arith.xori %reduce_min3A_25, %reduce_min3A_23 : vector<16xi32>
    %reduce_min3A_27 = vector.extract %reduce_min3A_26[15] : i32 from vector<16xi32>
    %sub3A = arith.constant 1 : i32
    %sub3A_28 = arith.subi %sub3A, %reduce_min3A_27 : i32
    %scan3A = arith.constant 0 : i32
    %scan3A_29 = arith.constant 0 : i32
    %scan3A_30 = arith.constant 128 : i32
    %scan3A_31 = arith.addi %scan3A_29, %scan3A_30 : i32
    %scan3A_32 = arith.constant 1 : i32
    %scan3A_33 = scf.for %scan3A_98 = %scan3A_29 to %scan3A_31 step %scan3A_32 iter_args(%scan3A_99 = %scan3A) -> (i32)  : i32 {
      %mul3A_100 = arith.constant 16 : i32
      %mul3A_101 = arith.muli %scan3A_98, %mul3A_100 : i32
      %swap3A = arith.index_cast %mul3A_101 : i32 to index
      %swap3A_102 = tpu.vector_load %arg14[%swap3A] {strides = array<i32>} : memref<2048xi32, #tpu.memory_space<vmem>>, vector<16xi32>,
      tpu.vector_store %arg14[%swap3A], %broadcast_in_dim3A_7 {strides = array<i32>} : memref<2048xi32, #tpu.memory_space<vmem>>, vector<16xi32>,
      %scan3A_103 = arith.constant 0 : i32
      scf.yield %scan3A_103 : i32
    }
    %scan3A_34 = arith.constant 128 : i32
    %scan3A_35 = arith.constant 0 : i32
    %scan3A_36 = arith.constant 0 : i32
    %scan3A_37 = arith.constant 50 : i32
    %scan3A_38 = arith.addi %scan3A_36, %scan3A_37 : i32
    %scan3A_39 = arith.constant 1 : i32
    %scan3A_40 = scf.for %scan3A_98 = %scan3A_36 to %scan3A_38 step %scan3A_39 iter_args(%scan3A_99 = %scan3A_35) -> (i32)  : i32 {
      %mul3A_100 = arith.constant 20000 : i32
      %mul3A_101 = arith.muli %scan3A_98, %mul3A_100 : i32
      %add3A_102 = arith.addi %mul3A_2, %mul3A_101 : i32
      "tpu.region"() ({
        %run_scoped3A = tpu.sem_alloc : memref<!tpu.dma_semaphore, #tpu.memory_space<semaphore_mem>>
        %dma_start3A = tpu.memref_slice %arg2[%add3A_102] : memref<32000000xi32, #tpu.memory_space<hbm>> -> memref<20000xi32, #tpu.memory_space<hbm>>
        %dma_start3A_111 = tpu.memref_slice %arg2[%add3A_102] : memref<32000000xi32, #tpu.memory_space<hbm>> -> memref<20000xi32, #tpu.memory_space<hbm>>
        tpu.enqueue_dma source(%dma_start3A_111 : memref<20000xi32, #tpu.memory_space<hbm>>) target(%arg9 : memref<20000xi32, #tpu.memory_space<vmem>>) target_semaphore(%run_scoped3A : memref<!tpu.dma_semaphore, #tpu.memory_space<semaphore_mem>>)
        %dma_wait3A = tpu.memref_slice %arg2[%add3A_102] : memref<32000000xi32, #tpu.memory_space<hbm>> -> memref<20000xi32, #tpu.memory_space<hbm>>
        %dma_wait3A_112 = tpu.memref_slice %arg2[%add3A_102] : memref<32000000xi32, #tpu.memory_space<hbm>> -> memref<20000xi32, #tpu.memory_space<hbm>>
        tpu.wait_dma2 semaphore(%run_scoped3A : memref<!tpu.dma_semaphore, #tpu.memory_space<semaphore_mem>>) src(%dma_wait3A_112 : memref<20000xi32, #tpu.memory_space<hbm>>) dst(%arg9 : memref<20000xi32, #tpu.memory_space<vmem>>)
        tpu.yield
      }) : () -> ()
      %scan3A_103 = arith.constant 0 : i32
      %scan3A_104 = arith.constant 0 : i32
      %scan3A_105 = arith.constant 1250 : i32
      %scan3A_106 = arith.addi %scan3A_104, %scan3A_105 : i32
      %scan3A_107 = arith.constant 1 : i32
      %scan3A_108 = scf.for %scan3A_111 = %scan3A_104 to %scan3A_106 step %scan3A_107 iter_args(%scan3A_112 = %scan3A_103) -> (i32)  : i32 {
        %mul3A_113 = arith.constant 16 : i32
        %mul3A_114 = arith.muli %scan3A_111, %mul3A_113 : i32
        %get3A = arith.index_cast %mul3A_114 : i32 to index
        %get3A_115 = tpu.vector_load %arg9[%get3A] {strides = array<i32>} : memref<20000xi32, #tpu.memory_space<vmem>>, vector<16xi32>,
        %shift_right_logical3A = arith.constant 0 : i32
        %shift_right_logical3A_116 = vector.broadcast %shift_right_logical3A : i32 to vector<16xi32>
        %shift_right_logical3A_117 = arith.shrui %get3A_115, %shift_right_logical3A_116 : vector<16xi32>
        %and3A = arith.constant 2047 : i32
        %and3A_118 = vector.broadcast %and3A : i32 to vector<16xi32>
        %and3A_119 = arith.andi %shift_right_logical3A_117, %and3A_118 : vector<16xi32>
        %broadcast_in_dim3A_120 = arith.constant true
        %broadcast_in_dim3A_121 = vector.broadcast %broadcast_in_dim3A_120 : i1 to vector<16xi1>
        %unique3A_122, %unique3A_123 = tpu.scan_count mask(%broadcast_in_dim3A_121 : vector<16xi1>) value(%and3A_119 : vector<16xi32>) : vector<16xi1>, vector<16xi32>
        %gather3A = tpu.vector_load_idx %arg14[%and3A_119] : memref<2048xi32, #tpu.memory_space<vmem>>[vector<16xi32>], vector<16xi32>,
        %sub3A_124 = vector.broadcast %reduce_min3A_17 : i32 to vector<16xi32>
        %sub3A_125 = arith.subi %unique3A_123, %sub3A_124 : vector<16xi32>
        %add3A_126 = arith.addi %gather3A, %sub3A_125 : vector<16xi32>
        %add3A_127 = arith.constant 1 : i32
        %add3A_128 = vector.broadcast %add3A_127 : i32 to vector<16xi32>
        %add3A_129 = arith.addi %add3A_126, %add3A_128 : vector<16xi32>
        tpu.vector_store_idx %arg14[%and3A_119], %add3A_129 masked %unique3A_122 : memref<2048xi32, #tpu.memory_space<vmem>>[vector<16xi32>], vector<16xi32>, vector<16xi1>
        %scan3A_130 = arith.constant 0 : i32
        scf.yield %scan3A_130 : i32
      }
      %scan3A_109 = arith.constant 1250 : i32
      %scan3A_110 = arith.constant 0 : i32
      scf.yield %scan3A_110 : i32
    }
    %scan3A_41 = arith.constant 50 : i32
    %scan3A_42 = arith.constant 0 : i32
    %scan3A_43 = arith.constant 0 : i32
    %scan3A_44 = arith.constant 128 : i32
    %scan3A_45 = arith.addi %scan3A_43, %scan3A_44 : i32
    %scan3A_46 = arith.constant 1 : i32
    %scan3A_47 = scf.for %scan3A_98 = %scan3A_43 to %scan3A_45 step %scan3A_46 iter_args(%scan3A_99 = %scan3A_42) -> (i32)  : i32 {
      %mul3A_100 = arith.constant 16 : i32
      %mul3A_101 = arith.muli %scan3A_98, %mul3A_100 : i32
      %get3A = arith.index_cast %mul3A_101 : i32 to index
      %get3A_102 = tpu.vector_load %arg14[%get3A] {strides = array<i32>} : memref<2048xi32, #tpu.memory_space<vmem>>, vector<16xi32>,
      %broadcast_in_dim3A_103 = arith.constant true
      %broadcast_in_dim3A_104 = vector.broadcast %broadcast_in_dim3A_103 : i1 to vector<16xi1>
      %masked_cumsum3A_105 = tpu.scan <sum>, %get3A_102 masked %broadcast_in_dim3A_104 : vector<16xi32>, vector<16xi1> -> vector<16xi32>
      %mul3A_106 = vector.broadcast %sub3A_28 : i32 to vector<16xi32>
      %mul3A_107 = arith.muli %mul3A_106, %get3A_102 : vector<16xi32>
      %add3A_108 = arith.addi %masked_cumsum3A_105, %mul3A_107 : vector<16xi32>
      %sub3A_109 = arith.subi %add3A_108, %get3A_102 : vector<16xi32>
      %add3A_110 = vector.broadcast %scan3A_99 : i32 to vector<16xi32>
      %add3A_111 = arith.addi %sub3A_109, %add3A_110 : vector<16xi32>
      %mul3A_112 = arith.constant 16 : i32
      %mul3A_113 = arith.muli %scan3A_98, %mul3A_112 : i32
      %swap3A = arith.index_cast %mul3A_113 : i32 to index
      %swap3A_114 = tpu.vector_load %arg14[%swap3A] {strides = array<i32>} : memref<2048xi32, #tpu.memory_space<vmem>>, vector<16xi32>,
      tpu.vector_store %arg14[%swap3A], %add3A_111 {strides = array<i32>} : memref<2048xi32, #tpu.memory_space<vmem>>, vector<16xi32>,
      %reduce_sum3A = arith.constant true
      %reduce_sum3A_115 = vector.broadcast %reduce_sum3A : i1 to vector<16xi1>
      %reduce_sum3A_116 = tpu.scan <sum>, %get3A_102 masked %reduce_sum3A_115 : vector<16xi32>, vector<16xi1> -> vector<16xi32>
      %reduce_sum3A_117 = vector.extract %reduce_sum3A_116[15] : i32 from vector<16xi32>
      %add3A_118 = arith.addi %scan3A_99, %reduce_sum3A_117 : i32
      scf.yield %add3A_118 : i32
    }
    %scan3A_48 = arith.constant 128 : i32
    %scan3A_49 = arith.constant 0 : i32
    %scan3A_50 = arith.constant 0 : i32
    %scan3A_51 = arith.constant 128 : i32
    %scan3A_52 = arith.addi %scan3A_50, %scan3A_51 : i32
    %scan3A_53 = arith.constant 1 : i32
    %scan3A_54 = scf.for %scan3A_98 = %scan3A_50 to %scan3A_52 step %scan3A_53 iter_args(%scan3A_99 = %scan3A_49) -> (i32)  : i32 {
      %mul3A_100 = arith.constant 16 : i32
      %mul3A_101 = arith.muli %scan3A_98, %mul3A_100 : i32
      %swap3A = arith.index_cast %mul3A_101 : i32 to index
      %swap3A_102 = tpu.vector_load %arg15[%swap3A] {strides = array<i32>} : memref<2048xi32, #tpu.memory_space<vmem>>, vector<16xi32>,
      tpu.vector_store %arg15[%swap3A], %broadcast_in_dim3A_7 {strides = array<i32>} : memref<2048xi32, #tpu.memory_space<vmem>>, vector<16xi32>,
      %scan3A_103 = arith.constant 0 : i32
      scf.yield %scan3A_103 : i32
    }
    %scan3A_55 = arith.constant 128 : i32
    %scan3A_56 = arith.constant 0 : i32
    %scan3A_57 = arith.constant 0 : i32
    %scan3A_58 = arith.constant 50 : i32
    %scan3A_59 = arith.addi %scan3A_57, %scan3A_58 : i32
    %scan3A_60 = arith.constant 1 : i32
    %scan3A_61 = scf.for %scan3A_98 = %scan3A_57 to %scan3A_59 step %scan3A_60 iter_args(%scan3A_99 = %scan3A_56) -> (i32)  : i32 {
      %mul3A_100 = arith.constant 20000 : i32
      %mul3A_101 = arith.muli %scan3A_98, %mul3A_100 : i32
      %add3A_102 = arith.addi %mul3A_2, %mul3A_101 : i32
      "tpu.region"() ({
        %run_scoped3A = tpu.sem_alloc : memref<!tpu.dma_semaphore, #tpu.memory_space<semaphore_mem>>
        %dma_start3A = tpu.memref_slice %arg2[%add3A_102] : memref<32000000xi32, #tpu.memory_space<hbm>> -> memref<20000xi32, #tpu.memory_space<hbm>>
        %dma_start3A_139 = tpu.memref_slice %arg2[%add3A_102] : memref<32000000xi32, #tpu.memory_space<hbm>> -> memref<20000xi32, #tpu.memory_space<hbm>>
        tpu.enqueue_dma source(%dma_start3A_139 : memref<20000xi32, #tpu.memory_space<hbm>>) target(%arg9 : memref<20000xi32, #tpu.memory_space<vmem>>) target_semaphore(%run_scoped3A : memref<!tpu.dma_semaphore, #tpu.memory_space<semaphore_mem>>)
        %dma_wait3A = tpu.memref_slice %arg2[%add3A_102] : memref<32000000xi32, #tpu.memory_space<hbm>> -> memref<20000xi32, #tpu.memory_space<hbm>>
        %dma_wait3A_140 = tpu.memref_slice %arg2[%add3A_102] : memref<32000000xi32, #tpu.memory_space<hbm>> -> memref<20000xi32, #tpu.memory_space<hbm>>
        tpu.wait_dma2 semaphore(%run_scoped3A : memref<!tpu.dma_semaphore, #tpu.memory_space<semaphore_mem>>) src(%dma_wait3A_140 : memref<20000xi32, #tpu.memory_space<hbm>>) dst(%arg9 : memref<20000xi32, #tpu.memory_space<vmem>>)
        tpu.yield
      }) : () -> ()
      %scan3A_103 = arith.constant 0 : i32
      %scan3A_104 = arith.constant 0 : i32
      %scan3A_105 = arith.constant 128 : i32
      %scan3A_106 = arith.addi %scan3A_104, %scan3A_105 : i32
      %scan3A_107 = arith.constant 1 : i32
      %scan3A_108 = scf.for %scan3A_139 = %scan3A_104 to %scan3A_106 step %scan3A_107 iter_args(%scan3A_140 = %scan3A_103) -> (i32)  : i32 {
        %mul3A_141 = arith.constant 16 : i32
        %mul3A_142 = arith.muli %scan3A_139, %mul3A_141 : i32
        %swap3A = arith.index_cast %mul3A_142 : i32 to index
        %swap3A_143 = tpu.vector_load %arg16[%swap3A] {strides = array<i32>} : memref<2048xi32, #tpu.memory_space<vmem>>, vector<16xi32>,
        tpu.vector_store %arg16[%swap3A], %broadcast_in_dim3A_7 {strides = array<i32>} : memref<2048xi32, #tpu.memory_space<vmem>>, vector<16xi32>,
        %scan3A_144 = arith.constant 0 : i32
        scf.yield %scan3A_144 : i32
      }
      %scan3A_109 = arith.constant 128 : i32
      %scan3A_110 = arith.constant 0 : i32
      %scan3A_111 = arith.constant 0 : i32
      %scan3A_112 = arith.constant 1250 : i32
      %scan3A_113 = arith.addi %scan3A_111, %scan3A_112 : i32
      %scan3A_114 = arith.constant 1 : i32
      %scan3A_115 = scf.for %scan3A_139 = %scan3A_111 to %scan3A_113 step %scan3A_114 iter_args(%scan3A_140 = %scan3A_110) -> (i32)  : i32 {
        %mul3A_141 = arith.constant 16 : i32
        %mul3A_142 = arith.muli %scan3A_139, %mul3A_141 : i32
        %get3A = arith.index_cast %mul3A_142 : i32 to index
        %get3A_143 = tpu.vector_load %arg9[%get3A] {strides = array<i32>} : memref<20000xi32, #tpu.memory_space<vmem>>, vector<16xi32>,
        %shift_right_logical3A = arith.constant 0 : i32
        %shift_right_logical3A_144 = vector.broadcast %shift_right_logical3A : i32 to vector<16xi32>
        %shift_right_logical3A_145 = arith.shrui %get3A_143, %shift_right_logical3A_144 : vector<16xi32>
        %and3A = arith.constant 2047 : i32
        %and3A_146 = vector.broadcast %and3A : i32 to vector<16xi32>
        %and3A_147 = arith.andi %shift_right_logical3A_145, %and3A_146 : vector<16xi32>
        %broadcast_in_dim3A_148 = arith.constant true
        %broadcast_in_dim3A_149 = vector.broadcast %broadcast_in_dim3A_148 : i1 to vector<16xi1>
        %unique3A_150, %unique3A_151 = tpu.scan_count mask(%broadcast_in_dim3A_149 : vector<16xi1>) value(%and3A_147 : vector<16xi32>) : vector<16xi1>, vector<16xi32>
        %gather3A = tpu.vector_load_idx %arg16[%and3A_147] : memref<2048xi32, #tpu.memory_space<vmem>>[vector<16xi32>], vector<16xi32>,
        %sub3A_152 = vector.broadcast %reduce_min3A_17 : i32 to vector<16xi32>
        %sub3A_153 = arith.subi %unique3A_151, %sub3A_152 : vector<16xi32>
        %add3A_154 = arith.addi %gather3A, %sub3A_153 : vector<16xi32>
        %add3A_155 = arith.constant 1 : i32
        %add3A_156 = vector.broadcast %add3A_155 : i32 to vector<16xi32>
        %add3A_157 = arith.addi %add3A_154, %add3A_156 : vector<16xi32>
        tpu.vector_store_idx %arg16[%and3A_147], %add3A_157 masked %unique3A_150 : memref<2048xi32, #tpu.memory_space<vmem>>[vector<16xi32>], vector<16xi32>, vector<16xi1>
        %shift_right_logical3A_158 = arith.constant 11 : i32
        %shift_right_logical3A_159 = vector.broadcast %shift_right_logical3A_158 : i32 to vector<16xi32>
        %shift_right_logical3A_160 = arith.shrui %get3A_143, %shift_right_logical3A_159 : vector<16xi32>
        %and3A_161 = arith.constant 2047 : i32
        %and3A_162 = vector.broadcast %and3A_161 : i32 to vector<16xi32>
        %and3A_163 = arith.andi %shift_right_logical3A_160, %and3A_162 : vector<16xi32>
        %broadcast_in_dim3A_164 = arith.constant true
        %broadcast_in_dim3A_165 = vector.broadcast %broadcast_in_dim3A_164 : i1 to vector<16xi1>
        %unique3A_166, %unique3A_167 = tpu.scan_count mask(%broadcast_in_dim3A_165 : vector<16xi1>) value(%and3A_163 : vector<16xi32>) : vector<16xi1>, vector<16xi32>
        %gather3A_168 = tpu.vector_load_idx %arg15[%and3A_163] : memref<2048xi32, #tpu.memory_space<vmem>>[vector<16xi32>], vector<16xi32>,
        %sub3A_169 = vector.broadcast %reduce_min3A_17 : i32 to vector<16xi32>
        %sub3A_170 = arith.subi %unique3A_167, %sub3A_169 : vector<16xi32>
        %add3A_171 = arith.addi %gather3A_168, %sub3A_170 : vector<16xi32>
        %add3A_172 = arith.constant 1 : i32
        %add3A_173 = vector.broadcast %add3A_172 : i32 to vector<16xi32>
        %add3A_174 = arith.addi %add3A_171, %add3A_173 : vector<16xi32>
        tpu.vector_store_idx %arg15[%and3A_163], %add3A_174 masked %unique3A_166 : memref<2048xi32, #tpu.memory_space<vmem>>[vector<16xi32>], vector<16xi32>, vector<16xi1>
        %scan3A_175 = arith.constant 0 : i32
        scf.yield %scan3A_175 : i32
      }
      %scan3A_116 = arith.constant 1250 : i32
      %scan3A_117 = arith.constant 0 : i32
      %scan3A_118 = arith.constant 0 : i32
      %scan3A_119 = arith.constant 128 : i32
      %scan3A_120 = arith.addi %scan3A_118, %scan3A_119 : i32
      %scan3A_121 = arith.constant 1 : i32
      %scan3A_122 = scf.for %scan3A_139 = %scan3A_118 to %scan3A_120 step %scan3A_121 iter_args(%scan3A_140 = %scan3A_117) -> (i32)  : i32 {
        %mul3A_141 = arith.constant 16 : i32
        %mul3A_142 = arith.muli %scan3A_139, %mul3A_141 : i32
        %get3A = arith.index_cast %mul3A_142 : i32 to index
        %get3A_143 = tpu.vector_load %arg16[%get3A] {strides = array<i32>} : memref<2048xi32, #tpu.memory_space<vmem>>, vector<16xi32>,
        %broadcast_in_dim3A_144 = arith.constant true
        %broadcast_in_dim3A_145 = vector.broadcast %broadcast_in_dim3A_144 : i1 to vector<16xi1>
        %masked_cumsum3A_146 = tpu.scan <sum>, %get3A_143 masked %broadcast_in_dim3A_145 : vector<16xi32>, vector<16xi1> -> vector<16xi32>
        %mul3A_147 = vector.broadcast %sub3A_28 : i32 to vector<16xi32>
        %mul3A_148 = arith.muli %mul3A_147, %get3A_143 : vector<16xi32>
        %add3A_149 = arith.addi %masked_cumsum3A_146, %mul3A_148 : vector<16xi32>
        %sub3A_150 = arith.subi %add3A_149, %get3A_143 : vector<16xi32>
        %add3A_151 = vector.broadcast %scan3A_140 : i32 to vector<16xi32>
        %add3A_152 = arith.addi %sub3A_150, %add3A_151 : vector<16xi32>
        %mul3A_153 = arith.constant 16 : i32
        %mul3A_154 = arith.muli %scan3A_139, %mul3A_153 : i32
        %swap3A = arith.index_cast %mul3A_154 : i32 to index
        %swap3A_155 = tpu.vector_load %arg17[%swap3A] {strides = array<i32>} : memref<2048xi32, #tpu.memory_space<vmem>>, vector<16xi32>,
        tpu.vector_store %arg17[%swap3A], %add3A_152 {strides = array<i32>} : memref<2048xi32, #tpu.memory_space<vmem>>, vector<16xi32>,
        %mul3A_156 = arith.constant 16 : i32
        %mul3A_157 = arith.muli %scan3A_139, %mul3A_156 : i32
        %swap3A_158 = arith.index_cast %mul3A_157 : i32 to index
        %swap3A_159 = tpu.vector_load %arg18[%swap3A_158] {strides = array<i32>} : memref<2048xi32, #tpu.memory_space<vmem>>, vector<16xi32>,
        tpu.vector_store %arg18[%swap3A_158], %add3A_152 {strides = array<i32>} : memref<2048xi32, #tpu.memory_space<vmem>>, vector<16xi32>,
        %reduce_sum3A = arith.constant true
        %reduce_sum3A_160 = vector.broadcast %reduce_sum3A : i1 to vector<16xi1>
        %reduce_sum3A_161 = tpu.scan <sum>, %get3A_143 masked %reduce_sum3A_160 : vector<16xi32>, vector<16xi1> -> vector<16xi32>
        %reduce_sum3A_162 = vector.extract %reduce_sum3A_161[15] : i32 from vector<16xi32>
        %add3A_163 = arith.addi %scan3A_140, %reduce_sum3A_162 : i32
        scf.yield %add3A_163 : i32
      }
      %scan3A_123 = arith.constant 128 : i32
      %scan3A_124 = arith.constant 0 : i32
      %scan3A_125 = arith.constant 0 : i32
      %scan3A_126 = arith.constant 1250 : i32
      %scan3A_127 = arith.addi %scan3A_125, %scan3A_126 : i32
      %scan3A_128 = arith.constant 1 : i32
      %scan3A_129 = scf.for %scan3A_139 = %scan3A_125 to %scan3A_127 step %scan3A_128 iter_args(%scan3A_140 = %scan3A_124) -> (i32)  : i32 {
        %mul3A_141 = arith.constant 16 : i32
        %mul3A_142 = arith.muli %scan3A_139, %mul3A_141 : i32
        %get3A = arith.index_cast %mul3A_142 : i32 to index
        %get3A_143 = tpu.vector_load %arg9[%get3A] {strides = array<i32>} : memref<20000xi32, #tpu.memory_space<vmem>>, vector<16xi32>,
        %shift_right_logical3A = arith.constant 0 : i32
        %shift_right_logical3A_144 = vector.broadcast %shift_right_logical3A : i32 to vector<16xi32>
        %shift_right_logical3A_145 = arith.shrui %get3A_143, %shift_right_logical3A_144 : vector<16xi32>
        %and3A = arith.constant 2047 : i32
        %and3A_146 = vector.broadcast %and3A : i32 to vector<16xi32>
        %and3A_147 = arith.andi %shift_right_logical3A_145, %and3A_146 : vector<16xi32>
        %gather3A = tpu.vector_load_idx %arg18[%and3A_147] : memref<2048xi32, #tpu.memory_space<vmem>>[vector<16xi32>], vector<16xi32>,
        %broadcast_in_dim3A_148 = arith.constant true
        %broadcast_in_dim3A_149 = vector.broadcast %broadcast_in_dim3A_148 : i1 to vector<16xi1>
        %unique3A_150, %unique3A_151 = tpu.scan_count mask(%broadcast_in_dim3A_149 : vector<16xi1>) value(%and3A_147 : vector<16xi32>) : vector<16xi1>, vector<16xi32>
        %sub3A_152 = vector.broadcast %reduce_min3A_17 : i32 to vector<16xi32>
        %sub3A_153 = arith.subi %unique3A_151, %sub3A_152 : vector<16xi32>
        %add3A_154 = arith.addi %gather3A, %sub3A_153 : vector<16xi32>
        %add3A_155 = arith.constant 1 : i32
        %add3A_156 = vector.broadcast %add3A_155 : i32 to vector<16xi32>
        %add3A_157 = arith.addi %add3A_154, %add3A_156 : vector<16xi32>
        tpu.vector_store_idx %arg18[%and3A_147], %add3A_157 masked %unique3A_150 : memref<2048xi32, #tpu.memory_space<vmem>>[vector<16xi32>], vector<16xi32>, vector<16xi1>
        %gather3A_158 = tpu.vector_load_idx %arg14[%and3A_147] : memref<2048xi32, #tpu.memory_space<vmem>>[vector<16xi32>], vector<16xi32>,
        %gather3A_159 = tpu.vector_load_idx %arg17[%and3A_147] : memref<2048xi32, #tpu.memory_space<vmem>>[vector<16xi32>], vector<16xi32>,
        %sub3A_160 = arith.subi %add3A_154, %gather3A_159 : vector<16xi32>
        %add3A_161 = arith.addi %gather3A_158, %sub3A_160 : vector<16xi32>
        %add3A_162 = vector.broadcast %mul3A_2 : i32 to vector<16xi32>
        %add3A_163 = arith.addi %add3A_161, %add3A_162 : vector<16xi32>
        tpu.vector_store_idx %arg13[%add3A_154], %add3A_163 : memref<20000xi32, #tpu.memory_space<vmem>>[vector<16xi32>], vector<16xi32>,
        tpu.vector_store_idx %arg11[%add3A_154], %get3A_143 : memref<20000xi32, #tpu.memory_space<vmem>>[vector<16xi32>], vector<16xi32>,
        %mul3A_164 = arith.constant 20000 : i32
        %mul3A_165 = arith.muli %scan3A_98, %mul3A_164 : i32
        %mul3A_166 = arith.constant 16 : i32
        %mul3A_167 = arith.muli %scan3A_139, %mul3A_166 : i32
        %add3A_168 = arith.addi %mul3A_165, %mul3A_167 : i32
        %add3A_169 = vector.broadcast %add3A_168 : i32 to vector<16xi32>
        %add3A_170 = arith.addi %add3A_169, %iota3A : vector<16xi32>
        tpu.vector_store_idx %arg12[%add3A_154], %add3A_170 : memref<20000xi32, #tpu.memory_space<vmem>>[vector<16xi32>], vector<16xi32>,
        %scan3A_171 = arith.constant 0 : i32
        scf.yield %scan3A_171 : i32
      }
      %scan3A_130 = arith.constant 1250 : i32
      %scan3A_131 = arith.constant 0 : i32
      %scan3A_132 = arith.constant 0 : i32
      %scan3A_133 = arith.constant 128 : i32
      %scan3A_134 = arith.addi %scan3A_132, %scan3A_133 : i32
      %scan3A_135 = arith.constant 1 : i32
      %scan3A_136 = scf.for %scan3A_139 = %scan3A_132 to %scan3A_134 step %scan3A_135 iter_args(%scan3A_140 = %scan3A_131) -> (i32)  : i32 {
        %mul3A_141 = arith.constant 16 : i32
        %mul3A_142 = arith.muli %scan3A_139, %mul3A_141 : i32
        %get3A = arith.index_cast %mul3A_142 : i32 to index
        %get3A_143 = tpu.vector_load %arg14[%get3A] {strides = array<i32>} : memref<2048xi32, #tpu.memory_space<vmem>>, vector<16xi32>,
        %mul3A_144 = arith.constant 16 : i32
        %mul3A_145 = arith.muli %scan3A_139, %mul3A_144 : i32
        %get3A_146 = arith.index_cast %mul3A_145 : i32 to index
        %get3A_147 = tpu.vector_load %arg16[%get3A_146] {strides = array<i32>} : memref<2048xi32, #tpu.memory_space<vmem>>, vector<16xi32>,
        %add3A_148 = arith.addi %get3A_143, %get3A_147 : vector<16xi32>
        %mul3A_149 = arith.constant 16 : i32
        %mul3A_150 = arith.muli %scan3A_139, %mul3A_149 : i32
        %swap3A = arith.index_cast %mul3A_150 : i32 to index
        %swap3A_151 = tpu.vector_load %arg14[%swap3A] {strides = array<i32>} : memref<2048xi32, #tpu.memory_space<vmem>>, vector<16xi32>,
        tpu.vector_store %arg14[%swap3A], %add3A_148 {strides = array<i32>} : memref<2048xi32, #tpu.memory_space<vmem>>, vector<16xi32>,
        %scan3A_152 = arith.constant 0 : i32
        scf.yield %scan3A_152 : i32
      }
      %scan3A_137 = arith.constant 128 : i32
      %scan3A_138 = arith.constant 0 : i32
      scf.yield %scan3A_138 : i32
    }
    %scan3A_62 = arith.constant 50 : i32
    %scan3A_63 = arith.constant 0 : i32
    %scan3A_64 = arith.constant 0 : i32
    %scan3A_65 = arith.constant 128 : i32
    %scan3A_66 = arith.addi %scan3A_64, %scan3A_65 : i32
    %scan3A_67 = arith.constant 1 : i32
    %scan3A_68 = scf.for %scan3A_98 = %scan3A_64 to %scan3A_66 step %scan3A_67 iter_args(%scan3A_99 = %scan3A_63) -> (i32)  : i32 {
      %mul3A_100 = arith.constant 16 : i32
      %mul3A_101 = arith.muli %scan3A_98, %mul3A_100 : i32
      %get3A = arith.index_cast %mul3A_101 : i32 to index
      %get3A_102 = tpu.vector_load %arg15[%get3A] {strides = array<i32>} : memref<2048xi32, #tpu.memory_space<vmem>>, vector<16xi32>,
      %broadcast_in_dim3A_103 = arith.constant true
      %broadcast_in_dim3A_104 = vector.broadcast %broadcast_in_dim3A_103 : i1 to vector<16xi1>
      %masked_cumsum3A_105 = tpu.scan <sum>, %get3A_102 masked %broadcast_in_dim3A_104 : vector<16xi32>, vector<16xi1> -> vector<16xi32>
      %mul3A_106 = vector.broadcast %sub3A_28 : i32 to vector<16xi32>
      %mul3A_107 = arith.muli %mul3A_106, %get3A_102 : vector<16xi32>
      %add3A_108 = arith.addi %masked_cumsum3A_105, %mul3A_107 : vector<16xi32>
      %sub3A_109 = arith.subi %add3A_108, %get3A_102 : vector<16xi32>
      %add3A_110 = vector.broadcast %scan3A_99 : i32 to vector<16xi32>
      %add3A_111 = arith.addi %sub3A_109, %add3A_110 : vector<16xi32>
      %mul3A_112 = arith.constant 16 : i32
      %mul3A_113 = arith.muli %scan3A_98, %mul3A_112 : i32
      %swap3A = arith.index_cast %mul3A_113 : i32 to index
      %swap3A_114 = tpu.vector_load %arg15[%swap3A] {strides = array<i32>} : memref<2048xi32, #tpu.memory_space<vmem>>, vector<16xi32>,
      tpu.vector_store %arg15[%swap3A], %add3A_111 {strides = array<i32>} : memref<2048xi32, #tpu.memory_space<vmem>>, vector<16xi32>,
      %reduce_sum3A = arith.constant true
      %reduce_sum3A_115 = vector.broadcast %reduce_sum3A : i1 to vector<16xi1>
      %reduce_sum3A_116 = tpu.scan <sum>, %get3A_102 masked %reduce_sum3A_115 : vector<16xi32>, vector<16xi1> -> vector<16xi32>
      %reduce_sum3A_117 = vector.extract %reduce_sum3A_116[15] : i32 from vector<16xi32>
      %add3A_118 = arith.addi %scan3A_99, %reduce_sum3A_117 : i32
      scf.yield %add3A_118 : i32
    }
    %scan3A_69 = arith.constant 128 : i32
    %scan3A_70 = arith.constant 0 : i32
    %scan3A_71 = arith.constant 0 : i32
    %scan3A_72 = arith.constant 128 : i32
    %scan3A_73 = arith.addi %scan3A_71, %scan3A_72 : i32
    %scan3A_74 = arith.constant 1 : i32
    %scan3A_75 = scf.for %scan3A_98 = %scan3A_71 to %scan3A_73 step %scan3A_74 iter_args(%scan3A_99 = %scan3A_70) -> (i32)  : i32 {
      %mul3A_100 = arith.constant 16 : i32
      %mul3A_101 = arith.muli %scan3A_98, %mul3A_100 : i32
      %swap3A = arith.index_cast %mul3A_101 : i32 to index
      %swap3A_102 = tpu.vector_load %arg14[%swap3A] {strides = array<i32>} : memref<2048xi32, #tpu.memory_space<vmem>>, vector<16xi32>,
      tpu.vector_store %arg14[%swap3A], %broadcast_in_dim3A_7 {strides = array<i32>} : memref<2048xi32, #tpu.memory_space<vmem>>, vector<16xi32>,
      %scan3A_103 = arith.constant 0 : i32
      scf.yield %scan3A_103 : i32
    }
    %scan3A_76 = arith.constant 128 : i32
    %scan3A_77 = arith.constant 0 : i32
    %scan3A_78 = arith.constant 0 : i32
    %scan3A_79 = arith.constant 50 : i32
    %scan3A_80 = arith.addi %scan3A_78, %scan3A_79 : i32
    %scan3A_81 = arith.constant 1 : i32
    %scan3A_82 = scf.for %scan3A_98 = %scan3A_78 to %scan3A_80 step %scan3A_81 iter_args(%scan3A_99 = %scan3A_77) -> (i32)  : i32 {
      %mul3A_100 = arith.constant 20000 : i32
      %mul3A_101 = arith.muli %scan3A_98, %mul3A_100 : i32
      %add3A_102 = arith.addi %mul3A_2, %mul3A_101 : i32
      "tpu.region"() ({
        %run_scoped3A = tpu.sem_alloc : memref<!tpu.dma_semaphore, #tpu.memory_space<semaphore_mem>>
        %dma_start3A = tpu.memref_slice %arg5[%add3A_102] : memref<32000000xi32, #tpu.memory_space<hbm>> -> memref<20000xi32, #tpu.memory_space<hbm>>
        %dma_start3A_142 = tpu.memref_slice %arg5[%add3A_102] : memref<32000000xi32, #tpu.memory_space<hbm>> -> memref<20000xi32, #tpu.memory_space<hbm>>
        tpu.enqueue_dma source(%dma_start3A_142 : memref<20000xi32, #tpu.memory_space<hbm>>) target(%arg9 : memref<20000xi32, #tpu.memory_space<vmem>>) target_semaphore(%run_scoped3A : memref<!tpu.dma_semaphore, #tpu.memory_space<semaphore_mem>>)
        %dma_wait3A = tpu.memref_slice %arg5[%add3A_102] : memref<32000000xi32, #tpu.memory_space<hbm>> -> memref<20000xi32, #tpu.memory_space<hbm>>
        %dma_wait3A_143 = tpu.memref_slice %arg5[%add3A_102] : memref<32000000xi32, #tpu.memory_space<hbm>> -> memref<20000xi32, #tpu.memory_space<hbm>>
        tpu.wait_dma2 semaphore(%run_scoped3A : memref<!tpu.dma_semaphore, #tpu.memory_space<semaphore_mem>>) src(%dma_wait3A_143 : memref<20000xi32, #tpu.memory_space<hbm>>) dst(%arg9 : memref<20000xi32, #tpu.memory_space<vmem>>)
        tpu.yield
      }) : () -> ()
      %mul3A_103 = arith.constant 20000 : i32
      %mul3A_104 = arith.muli %scan3A_98, %mul3A_103 : i32
      %add3A_105 = arith.addi %mul3A_2, %mul3A_104 : i32
      "tpu.region"() ({
        %run_scoped3A = tpu.sem_alloc : memref<!tpu.dma_semaphore, #tpu.memory_space<semaphore_mem>>
        %dma_start3A = tpu.memref_slice %arg6[%add3A_105] : memref<32000000xi32, #tpu.memory_space<hbm>> -> memref<20000xi32, #tpu.memory_space<hbm>>
        %dma_start3A_142 = tpu.memref_slice %arg6[%add3A_105] : memref<32000000xi32, #tpu.memory_space<hbm>> -> memref<20000xi32, #tpu.memory_space<hbm>>
        tpu.enqueue_dma source(%dma_start3A_142 : memref<20000xi32, #tpu.memory_space<hbm>>) target(%arg10 : memref<20000xi32, #tpu.memory_space<vmem>>) target_semaphore(%run_scoped3A : memref<!tpu.dma_semaphore, #tpu.memory_space<semaphore_mem>>)
        %dma_wait3A = tpu.memref_slice %arg6[%add3A_105] : memref<32000000xi32, #tpu.memory_space<hbm>> -> memref<20000xi32, #tpu.memory_space<hbm>>
        %dma_wait3A_143 = tpu.memref_slice %arg6[%add3A_105] : memref<32000000xi32, #tpu.memory_space<hbm>> -> memref<20000xi32, #tpu.memory_space<hbm>>
        tpu.wait_dma2 semaphore(%run_scoped3A : memref<!tpu.dma_semaphore, #tpu.memory_space<semaphore_mem>>) src(%dma_wait3A_143 : memref<20000xi32, #tpu.memory_space<hbm>>) dst(%arg10 : memref<20000xi32, #tpu.memory_space<vmem>>)
        tpu.yield
      }) : () -> ()
      %scan3A_106 = arith.constant 0 : i32
      %scan3A_107 = arith.constant 0 : i32
      %scan3A_108 = arith.constant 128 : i32
      %scan3A_109 = arith.addi %scan3A_107, %scan3A_108 : i32
      %scan3A_110 = arith.constant 1 : i32
      %scan3A_111 = scf.for %scan3A_142 = %scan3A_107 to %scan3A_109 step %scan3A_110 iter_args(%scan3A_143 = %scan3A_106) -> (i32)  : i32 {
        %mul3A_144 = arith.constant 16 : i32
        %mul3A_145 = arith.muli %scan3A_142, %mul3A_144 : i32
        %swap3A = arith.index_cast %mul3A_145 : i32 to index
        %swap3A_146 = tpu.vector_load %arg16[%swap3A] {strides = array<i32>} : memref<2048xi32, #tpu.memory_space<vmem>>, vector<16xi32>,
        tpu.vector_store %arg16[%swap3A], %broadcast_in_dim3A_7 {strides = array<i32>} : memref<2048xi32, #tpu.memory_space<vmem>>, vector<16xi32>,
        %scan3A_147 = arith.constant 0 : i32
        scf.yield %scan3A_147 : i32
      }
      %scan3A_112 = arith.constant 128 : i32
      %scan3A_113 = arith.constant 0 : i32
      %scan3A_114 = arith.constant 0 : i32
      %scan3A_115 = arith.constant 1250 : i32
      %scan3A_116 = arith.addi %scan3A_114, %scan3A_115 : i32
      %scan3A_117 = arith.constant 1 : i32
      %scan3A_118 = scf.for %scan3A_142 = %scan3A_114 to %scan3A_116 step %scan3A_117 iter_args(%scan3A_143 = %scan3A_113) -> (i32)  : i32 {
        %mul3A_144 = arith.constant 16 : i32
        %mul3A_145 = arith.muli %scan3A_142, %mul3A_144 : i32
        %get3A = arith.index_cast %mul3A_145 : i32 to index
        %get3A_146 = tpu.vector_load %arg9[%get3A] {strides = array<i32>} : memref<20000xi32, #tpu.memory_space<vmem>>, vector<16xi32>,
        %shift_right_logical3A = arith.constant 11 : i32
        %shift_right_logical3A_147 = vector.broadcast %shift_right_logical3A : i32 to vector<16xi32>
        %shift_right_logical3A_148 = arith.shrui %get3A_146, %shift_right_logical3A_147 : vector<16xi32>
        %and3A = arith.constant 2047 : i32
        %and3A_149 = vector.broadcast %and3A : i32 to vector<16xi32>
        %and3A_150 = arith.andi %shift_right_logical3A_148, %and3A_149 : vector<16xi32>
        %broadcast_in_dim3A_151 = arith.constant true
        %broadcast_in_dim3A_152 = vector.broadcast %broadcast_in_dim3A_151 : i1 to vector<16xi1>
        %unique3A_153, %unique3A_154 = tpu.scan_count mask(%broadcast_in_dim3A_152 : vector<16xi1>) value(%and3A_150 : vector<16xi32>) : vector<16xi1>, vector<16xi32>
        %gather3A = tpu.vector_load_idx %arg16[%and3A_150] : memref<2048xi32, #tpu.memory_space<vmem>>[vector<16xi32>], vector<16xi32>,
        %sub3A_155 = vector.broadcast %reduce_min3A_17 : i32 to vector<16xi32>
        %sub3A_156 = arith.subi %unique3A_154, %sub3A_155 : vector<16xi32>
        %add3A_157 = arith.addi %gather3A, %sub3A_156 : vector<16xi32>
        %add3A_158 = arith.constant 1 : i32
        %add3A_159 = vector.broadcast %add3A_158 : i32 to vector<16xi32>
        %add3A_160 = arith.addi %add3A_157, %add3A_159 : vector<16xi32>
        tpu.vector_store_idx %arg16[%and3A_150], %add3A_160 masked %unique3A_153 : memref<2048xi32, #tpu.memory_space<vmem>>[vector<16xi32>], vector<16xi32>, vector<16xi1>
        %shift_right_logical3A_161 = arith.constant 22 : i32
        %shift_right_logical3A_162 = vector.broadcast %shift_right_logical3A_161 : i32 to vector<16xi32>
        %shift_right_logical3A_163 = arith.shrui %get3A_146, %shift_right_logical3A_162 : vector<16xi32>
        %and3A_164 = arith.constant 2047 : i32
        %and3A_165 = vector.broadcast %and3A_164 : i32 to vector<16xi32>
        %and3A_166 = arith.andi %shift_right_logical3A_163, %and3A_165 : vector<16xi32>
        %broadcast_in_dim3A_167 = arith.constant true
        %broadcast_in_dim3A_168 = vector.broadcast %broadcast_in_dim3A_167 : i1 to vector<16xi1>
        %unique3A_169, %unique3A_170 = tpu.scan_count mask(%broadcast_in_dim3A_168 : vector<16xi1>) value(%and3A_166 : vector<16xi32>) : vector<16xi1>, vector<16xi32>
        %gather3A_171 = tpu.vector_load_idx %arg14[%and3A_166] : memref<2048xi32, #tpu.memory_space<vmem>>[vector<16xi32>], vector<16xi32>,
        %sub3A_172 = vector.broadcast %reduce_min3A_17 : i32 to vector<16xi32>
        %sub3A_173 = arith.subi %unique3A_170, %sub3A_172 : vector<16xi32>
        %add3A_174 = arith.addi %gather3A_171, %sub3A_173 : vector<16xi32>
        %add3A_175 = arith.constant 1 : i32
        %add3A_176 = vector.broadcast %add3A_175 : i32 to vector<16xi32>
        %add3A_177 = arith.addi %add3A_174, %add3A_176 : vector<16xi32>
        tpu.vector_store_idx %arg14[%and3A_166], %add3A_177 masked %unique3A_169 : memref<2048xi32, #tpu.memory_space<vmem>>[vector<16xi32>], vector<16xi32>, vector<16xi1>
        %scan3A_178 = arith.constant 0 : i32
        scf.yield %scan3A_178 : i32
      }
      %scan3A_119 = arith.constant 1250 : i32
      %scan3A_120 = arith.constant 0 : i32
      %scan3A_121 = arith.constant 0 : i32
      %scan3A_122 = arith.constant 128 : i32
      %scan3A_123 = arith.addi %scan3A_121, %scan3A_122 : i32
      %scan3A_124 = arith.constant 1 : i32
      %scan3A_125 = scf.for %scan3A_142 = %scan3A_121 to %scan3A_123 step %scan3A_124 iter_args(%scan3A_143 = %scan3A_120) -> (i32)  : i32 {
        %mul3A_144 = arith.constant 16 : i32
        %mul3A_145 = arith.muli %scan3A_142, %mul3A_144 : i32
        %get3A = arith.index_cast %mul3A_145 : i32 to index
        %get3A_146 = tpu.vector_load %arg16[%get3A] {strides = array<i32>} : memref<2048xi32, #tpu.memory_space<vmem>>, vector<16xi32>,
        %broadcast_in_dim3A_147 = arith.constant true
        %broadcast_in_dim3A_148 = vector.broadcast %broadcast_in_dim3A_147 : i1 to vector<16xi1>
        %masked_cumsum3A_149 = tpu.scan <sum>, %get3A_146 masked %broadcast_in_dim3A_148 : vector<16xi32>, vector<16xi1> -> vector<16xi32>
        %mul3A_150 = vector.broadcast %sub3A_28 : i32 to vector<16xi32>
        %mul3A_151 = arith.muli %mul3A_150, %get3A_146 : vector<16xi32>
        %add3A_152 = arith.addi %masked_cumsum3A_149, %mul3A_151 : vector<16xi32>
        %sub3A_153 = arith.subi %add3A_152, %get3A_146 : vector<16xi32>
        %add3A_154 = vector.broadcast %scan3A_143 : i32 to vector<16xi32>
        %add3A_155 = arith.addi %sub3A_153, %add3A_154 : vector<16xi32>
        %mul3A_156 = arith.constant 16 : i32
        %mul3A_157 = arith.muli %scan3A_142, %mul3A_156 : i32
        %swap3A = arith.index_cast %mul3A_157 : i32 to index
        %swap3A_158 = tpu.vector_load %arg17[%swap3A] {strides = array<i32>} : memref<2048xi32, #tpu.memory_space<vmem>>, vector<16xi32>,
        tpu.vector_store %arg17[%swap3A], %add3A_155 {strides = array<i32>} : memref<2048xi32, #tpu.memory_space<vmem>>, vector<16xi32>,
        %mul3A_159 = arith.constant 16 : i32
        %mul3A_160 = arith.muli %scan3A_142, %mul3A_159 : i32
        %swap3A_161 = arith.index_cast %mul3A_160 : i32 to index
        %swap3A_162 = tpu.vector_load %arg18[%swap3A_161] {strides = array<i32>} : memref<2048xi32, #tpu.memory_space<vmem>>, vector<16xi32>,
        tpu.vector_store %arg18[%swap3A_161], %add3A_155 {strides = array<i32>} : memref<2048xi32, #tpu.memory_space<vmem>>, vector<16xi32>,
        %reduce_sum3A = arith.constant true
        %reduce_sum3A_163 = vector.broadcast %reduce_sum3A : i1 to vector<16xi1>
        %reduce_sum3A_164 = tpu.scan <sum>, %get3A_146 masked %reduce_sum3A_163 : vector<16xi32>, vector<16xi1> -> vector<16xi32>
        %reduce_sum3A_165 = vector.extract %reduce_sum3A_164[15] : i32 from vector<16xi32>
        %add3A_166 = arith.addi %scan3A_143, %reduce_sum3A_165 : i32
        scf.yield %add3A_166 : i32
      }
      %scan3A_126 = arith.constant 128 : i32
      %scan3A_127 = arith.constant 0 : i32
      %scan3A_128 = arith.constant 0 : i32
      %scan3A_129 = arith.constant 1250 : i32
      %scan3A_130 = arith.addi %scan3A_128, %scan3A_129 : i32
      %scan3A_131 = arith.constant 1 : i32
      %scan3A_132 = scf.for %scan3A_142 = %scan3A_128 to %scan3A_130 step %scan3A_131 iter_args(%scan3A_143 = %scan3A_127) -> (i32)  : i32 {
        %mul3A_144 = arith.constant 16 : i32
        %mul3A_145 = arith.muli %scan3A_142, %mul3A_144 : i32
        %get3A = arith.index_cast %mul3A_145 : i32 to index
        %get3A_146 = tpu.vector_load %arg9[%get3A] {strides = array<i32>} : memref<20000xi32, #tpu.memory_space<vmem>>, vector<16xi32>,
        %shift_right_logical3A = arith.constant 11 : i32
        %shift_right_logical3A_147 = vector.broadcast %shift_right_logical3A : i32 to vector<16xi32>
        %shift_right_logical3A_148 = arith.shrui %get3A_146, %shift_right_logical3A_147 : vector<16xi32>
        %and3A = arith.constant 2047 : i32
        %and3A_149 = vector.broadcast %and3A : i32 to vector<16xi32>
        %and3A_150 = arith.andi %shift_right_logical3A_148, %and3A_149 : vector<16xi32>
        %gather3A = tpu.vector_load_idx %arg18[%and3A_150] : memref<2048xi32, #tpu.memory_space<vmem>>[vector<16xi32>], vector<16xi32>,
        %broadcast_in_dim3A_151 = arith.constant true
        %broadcast_in_dim3A_152 = vector.broadcast %broadcast_in_dim3A_151 : i1 to vector<16xi1>
        %unique3A_153, %unique3A_154 = tpu.scan_count mask(%broadcast_in_dim3A_152 : vector<16xi1>) value(%and3A_150 : vector<16xi32>) : vector<16xi1>, vector<16xi32>
        %sub3A_155 = vector.broadcast %reduce_min3A_17 : i32 to vector<16xi32>
        %sub3A_156 = arith.subi %unique3A_154, %sub3A_155 : vector<16xi32>
        %add3A_157 = arith.addi %gather3A, %sub3A_156 : vector<16xi32>
        %add3A_158 = arith.constant 1 : i32
        %add3A_159 = vector.broadcast %add3A_158 : i32 to vector<16xi32>
        %add3A_160 = arith.addi %add3A_157, %add3A_159 : vector<16xi32>
        tpu.vector_store_idx %arg18[%and3A_150], %add3A_160 masked %unique3A_153 : memref<2048xi32, #tpu.memory_space<vmem>>[vector<16xi32>], vector<16xi32>, vector<16xi1>
        %gather3A_161 = tpu.vector_load_idx %arg15[%and3A_150] : memref<2048xi32, #tpu.memory_space<vmem>>[vector<16xi32>], vector<16xi32>,
        %gather3A_162 = tpu.vector_load_idx %arg17[%and3A_150] : memref<2048xi32, #tpu.memory_space<vmem>>[vector<16xi32>], vector<16xi32>,
        %sub3A_163 = arith.subi %add3A_157, %gather3A_162 : vector<16xi32>
        %add3A_164 = arith.addi %gather3A_161, %sub3A_163 : vector<16xi32>
        %add3A_165 = vector.broadcast %mul3A_2 : i32 to vector<16xi32>
        %add3A_166 = arith.addi %add3A_164, %add3A_165 : vector<16xi32>
        tpu.vector_store_idx %arg13[%add3A_157], %add3A_166 : memref<20000xi32, #tpu.memory_space<vmem>>[vector<16xi32>], vector<16xi32>,
        tpu.vector_store_idx %arg11[%add3A_157], %get3A_146 : memref<20000xi32, #tpu.memory_space<vmem>>[vector<16xi32>], vector<16xi32>,
        %mul3A_167 = arith.constant 16 : i32
        %mul3A_168 = arith.muli %scan3A_142, %mul3A_167 : i32
        %get3A_169 = arith.index_cast %mul3A_168 : i32 to index
        %get3A_170 = tpu.vector_load %arg10[%get3A_169] {strides = array<i32>} : memref<20000xi32, #tpu.memory_space<vmem>>, vector<16xi32>,
        tpu.vector_store_idx %arg12[%add3A_157], %get3A_170 : memref<20000xi32, #tpu.memory_space<vmem>>[vector<16xi32>], vector<16xi32>,
        %scan3A_171 = arith.constant 0 : i32
        scf.yield %scan3A_171 : i32
      }
      %scan3A_133 = arith.constant 1250 : i32
      %scan3A_134 = arith.constant 0 : i32
      %scan3A_135 = arith.constant 0 : i32
      %scan3A_136 = arith.constant 128 : i32
      %scan3A_137 = arith.addi %scan3A_135, %scan3A_136 : i32
      %scan3A_138 = arith.constant 1 : i32
      %scan3A_139 = scf.for %scan3A_142 = %scan3A_135 to %scan3A_137 step %scan3A_138 iter_args(%scan3A_143 = %scan3A_134) -> (i32)  : i32 {
        %mul3A_144 = arith.constant 16 : i32
        %mul3A_145 = arith.muli %scan3A_142, %mul3A_144 : i32
        %get3A = arith.index_cast %mul3A_145 : i32 to index
        %get3A_146 = tpu.vector_load %arg15[%get3A] {strides = array<i32>} : memref<2048xi32, #tpu.memory_space<vmem>>, vector<16xi32>,
        %mul3A_147 = arith.constant 16 : i32
        %mul3A_148 = arith.muli %scan3A_142, %mul3A_147 : i32
        %get3A_149 = arith.index_cast %mul3A_148 : i32 to index
        %get3A_150 = tpu.vector_load %arg16[%get3A_149] {strides = array<i32>} : memref<2048xi32, #tpu.memory_space<vmem>>, vector<16xi32>,
        %add3A_151 = arith.addi %get3A_146, %get3A_150 : vector<16xi32>
        %mul3A_152 = arith.constant 16 : i32
        %mul3A_153 = arith.muli %scan3A_142, %mul3A_152 : i32
        %swap3A = arith.index_cast %mul3A_153 : i32 to index
        %swap3A_154 = tpu.vector_load %arg15[%swap3A] {strides = array<i32>} : memref<2048xi32, #tpu.memory_space<vmem>>, vector<16xi32>,
        tpu.vector_store %arg15[%swap3A], %add3A_151 {strides = array<i32>} : memref<2048xi32, #tpu.memory_space<vmem>>, vector<16xi32>,
        %scan3A_155 = arith.constant 0 : i32
        scf.yield %scan3A_155 : i32
      }
      %scan3A_140 = arith.constant 128 : i32
      %scan3A_141 = arith.constant 0 : i32
      scf.yield %scan3A_141 : i32
    }
    %scan3A_83 = arith.constant 50 : i32
    %scan3A_84 = arith.constant 0 : i32
    %scan3A_85 = arith.constant 0 : i32
    %scan3A_86 = arith.constant 128 : i32
    %scan3A_87 = arith.addi %scan3A_85, %scan3A_86 : i32
    %scan3A_88 = arith.constant 1 : i32
    %scan3A_89 = scf.for %scan3A_98 = %scan3A_85 to %scan3A_87 step %scan3A_88 iter_args(%scan3A_99 = %scan3A_84) -> (i32)  : i32 {
      %mul3A_100 = arith.constant 16 : i32
      %mul3A_101 = arith.muli %scan3A_98, %mul3A_100 : i32
      %get3A = arith.index_cast %mul3A_101 : i32 to index
      %get3A_102 = tpu.vector_load %arg14[%get3A] {strides = array<i32>} : memref<2048xi32, #tpu.memory_space<vmem>>, vector<16xi32>,
      %broadcast_in_dim3A_103 = arith.constant true
      %broadcast_in_dim3A_104 = vector.broadcast %broadcast_in_dim3A_103 : i1 to vector<16xi1>
      %masked_cumsum3A_105 = tpu.scan <sum>, %get3A_102 masked %broadcast_in_dim3A_104 : vector<16xi32>, vector<16xi1> -> vector<16xi32>
      %mul3A_106 = vector.broadcast %sub3A_28 : i32 to vector<16xi32>
      %mul3A_107 = arith.muli %mul3A_106, %get3A_102 : vector<16xi32>
      %add3A_108 = arith.addi %masked_cumsum3A_105, %mul3A_107 : vector<16xi32>
      %sub3A_109 = arith.subi %add3A_108, %get3A_102 : vector<16xi32>
      %add3A_110 = vector.broadcast %scan3A_99 : i32 to vector<16xi32>
      %add3A_111 = arith.addi %sub3A_109, %add3A_110 : vector<16xi32>
      %mul3A_112 = arith.constant 16 : i32
      %mul3A_113 = arith.muli %scan3A_98, %mul3A_112 : i32
      %swap3A = arith.index_cast %mul3A_113 : i32 to index
      %swap3A_114 = tpu.vector_load %arg14[%swap3A] {strides = array<i32>} : memref<2048xi32, #tpu.memory_space<vmem>>, vector<16xi32>,
      tpu.vector_store %arg14[%swap3A], %add3A_111 {strides = array<i32>} : memref<2048xi32, #tpu.memory_space<vmem>>, vector<16xi32>,
      %reduce_sum3A = arith.constant true
      %reduce_sum3A_115 = vector.broadcast %reduce_sum3A : i1 to vector<16xi1>
      %reduce_sum3A_116 = tpu.scan <sum>, %get3A_102 masked %reduce_sum3A_115 : vector<16xi32>, vector<16xi1> -> vector<16xi32>
      %reduce_sum3A_117 = vector.extract %reduce_sum3A_116[15] : i32 from vector<16xi32>
      %add3A_118 = arith.addi %scan3A_99, %reduce_sum3A_117 : i32
      scf.yield %add3A_118 : i32
    }
    %scan3A_90 = arith.constant 128 : i32
    %scan3A_91 = arith.constant 0 : i32
    %scan3A_92 = arith.constant 0 : i32
    %scan3A_93 = arith.constant 50 : i32
    %scan3A_94 = arith.addi %scan3A_92, %scan3A_93 : i32
    %scan3A_95 = arith.constant 1 : i32
    %scan3A_96 = scf.for %scan3A_98 = %scan3A_92 to %scan3A_94 step %scan3A_95 iter_args(%scan3A_99 = %scan3A_91) -> (i32)  : i32 {
      %mul3A_100 = arith.constant 20000 : i32
      %mul3A_101 = arith.muli %scan3A_98, %mul3A_100 : i32
      %add3A_102 = arith.addi %mul3A_2, %mul3A_101 : i32
      "tpu.region"() ({
        %run_scoped3A = tpu.sem_alloc : memref<!tpu.dma_semaphore, #tpu.memory_space<semaphore_mem>>
        %dma_start3A = tpu.memref_slice %arg7[%add3A_102] : memref<32000000xi32, #tpu.memory_space<hbm>> -> memref<20000xi32, #tpu.memory_space<hbm>>
        %dma_start3A_142 = tpu.memref_slice %arg7[%add3A_102] : memref<32000000xi32, #tpu.memory_space<hbm>> -> memref<20000xi32, #tpu.memory_space<hbm>>
        tpu.enqueue_dma source(%dma_start3A_142 : memref<20000xi32, #tpu.memory_space<hbm>>) target(%arg9 : memref<20000xi32, #tpu.memory_space<vmem>>) target_semaphore(%run_scoped3A : memref<!tpu.dma_semaphore, #tpu.memory_space<semaphore_mem>>)
        %dma_wait3A = tpu.memref_slice %arg7[%add3A_102] : memref<32000000xi32, #tpu.memory_space<hbm>> -> memref<20000xi32, #tpu.memory_space<hbm>>
        %dma_wait3A_143 = tpu.memref_slice %arg7[%add3A_102] : memref<32000000xi32, #tpu.memory_space<hbm>> -> memref<20000xi32, #tpu.memory_space<hbm>>
        tpu.wait_dma2 semaphore(%run_scoped3A : memref<!tpu.dma_semaphore, #tpu.memory_space<semaphore_mem>>) src(%dma_wait3A_143 : memref<20000xi32, #tpu.memory_space<hbm>>) dst(%arg9 : memref<20000xi32, #tpu.memory_space<vmem>>)
        tpu.yield
      }) : () -> ()
      %mul3A_103 = arith.constant 20000 : i32
      %mul3A_104 = arith.muli %scan3A_98, %mul3A_103 : i32
      %add3A_105 = arith.addi %mul3A_2, %mul3A_104 : i32
      "tpu.region"() ({
        %run_scoped3A = tpu.sem_alloc : memref<!tpu.dma_semaphore, #tpu.memory_space<semaphore_mem>>
        %dma_start3A = tpu.memref_slice %arg8[%add3A_105] : memref<32000000xi32, #tpu.memory_space<hbm>> -> memref<20000xi32, #tpu.memory_space<hbm>>
        %dma_start3A_142 = tpu.memref_slice %arg8[%add3A_105] : memref<32000000xi32, #tpu.memory_space<hbm>> -> memref<20000xi32, #tpu.memory_space<hbm>>
        tpu.enqueue_dma source(%dma_start3A_142 : memref<20000xi32, #tpu.memory_space<hbm>>) target(%arg10 : memref<20000xi32, #tpu.memory_space<vmem>>) target_semaphore(%run_scoped3A : memref<!tpu.dma_semaphore, #tpu.memory_space<semaphore_mem>>)
        %dma_wait3A = tpu.memref_slice %arg8[%add3A_105] : memref<32000000xi32, #tpu.memory_space<hbm>> -> memref<20000xi32, #tpu.memory_space<hbm>>
        %dma_wait3A_143 = tpu.memref_slice %arg8[%add3A_105] : memref<32000000xi32, #tpu.memory_space<hbm>> -> memref<20000xi32, #tpu.memory_space<hbm>>
        tpu.wait_dma2 semaphore(%run_scoped3A : memref<!tpu.dma_semaphore, #tpu.memory_space<semaphore_mem>>) src(%dma_wait3A_143 : memref<20000xi32, #tpu.memory_space<hbm>>) dst(%arg10 : memref<20000xi32, #tpu.memory_space<vmem>>)
        tpu.yield
      }) : () -> ()
      %scan3A_106 = arith.constant 0 : i32
      %scan3A_107 = arith.constant 0 : i32
      %scan3A_108 = arith.constant 128 : i32
      %scan3A_109 = arith.addi %scan3A_107, %scan3A_108 : i32
      %scan3A_110 = arith.constant 1 : i32
      %scan3A_111 = scf.for %scan3A_142 = %scan3A_107 to %scan3A_109 step %scan3A_110 iter_args(%scan3A_143 = %scan3A_106) -> (i32)  : i32 {
        %mul3A_144 = arith.constant 16 : i32
        %mul3A_145 = arith.muli %scan3A_142, %mul3A_144 : i32
        %swap3A = arith.index_cast %mul3A_145 : i32 to index
        %swap3A_146 = tpu.vector_load %arg16[%swap3A] {strides = array<i32>} : memref<2048xi32, #tpu.memory_space<vmem>>, vector<16xi32>,
        tpu.vector_store %arg16[%swap3A], %broadcast_in_dim3A_7 {strides = array<i32>} : memref<2048xi32, #tpu.memory_space<vmem>>, vector<16xi32>,
        %scan3A_147 = arith.constant 0 : i32
        scf.yield %scan3A_147 : i32
      }
      %scan3A_112 = arith.constant 128 : i32
      %scan3A_113 = arith.constant 0 : i32
      %scan3A_114 = arith.constant 0 : i32
      %scan3A_115 = arith.constant 1250 : i32
      %scan3A_116 = arith.addi %scan3A_114, %scan3A_115 : i32
      %scan3A_117 = arith.constant 1 : i32
      %scan3A_118 = scf.for %scan3A_142 = %scan3A_114 to %scan3A_116 step %scan3A_117 iter_args(%scan3A_143 = %scan3A_113) -> (i32)  : i32 {
        %mul3A_144 = arith.constant 16 : i32
        %mul3A_145 = arith.muli %scan3A_142, %mul3A_144 : i32
        %get3A = arith.index_cast %mul3A_145 : i32 to index
        %get3A_146 = tpu.vector_load %arg9[%get3A] {strides = array<i32>} : memref<20000xi32, #tpu.memory_space<vmem>>, vector<16xi32>,
        %shift_right_logical3A = arith.constant 22 : i32
        %shift_right_logical3A_147 = vector.broadcast %shift_right_logical3A : i32 to vector<16xi32>
        %shift_right_logical3A_148 = arith.shrui %get3A_146, %shift_right_logical3A_147 : vector<16xi32>
        %and3A = arith.constant 2047 : i32
        %and3A_149 = vector.broadcast %and3A : i32 to vector<16xi32>
        %and3A_150 = arith.andi %shift_right_logical3A_148, %and3A_149 : vector<16xi32>
        %broadcast_in_dim3A_151 = arith.constant true
        %broadcast_in_dim3A_152 = vector.broadcast %broadcast_in_dim3A_151 : i1 to vector<16xi1>
        %unique3A_153, %unique3A_154 = tpu.scan_count mask(%broadcast_in_dim3A_152 : vector<16xi1>) value(%and3A_150 : vector<16xi32>) : vector<16xi1>, vector<16xi32>
        %gather3A = tpu.vector_load_idx %arg16[%and3A_150] : memref<2048xi32, #tpu.memory_space<vmem>>[vector<16xi32>], vector<16xi32>,
        %sub3A_155 = vector.broadcast %reduce_min3A_17 : i32 to vector<16xi32>
        %sub3A_156 = arith.subi %unique3A_154, %sub3A_155 : vector<16xi32>
        %add3A_157 = arith.addi %gather3A, %sub3A_156 : vector<16xi32>
        %add3A_158 = arith.constant 1 : i32
        %add3A_159 = vector.broadcast %add3A_158 : i32 to vector<16xi32>
        %add3A_160 = arith.addi %add3A_157, %add3A_159 : vector<16xi32>
        tpu.vector_store_idx %arg16[%and3A_150], %add3A_160 masked %unique3A_153 : memref<2048xi32, #tpu.memory_space<vmem>>[vector<16xi32>], vector<16xi32>, vector<16xi1>
        %scan3A_161 = arith.constant 0 : i32
        scf.yield %scan3A_161 : i32
      }
      %scan3A_119 = arith.constant 1250 : i32
      %scan3A_120 = arith.constant 0 : i32
      %scan3A_121 = arith.constant 0 : i32
      %scan3A_122 = arith.constant 128 : i32
      %scan3A_123 = arith.addi %scan3A_121, %scan3A_122 : i32
      %scan3A_124 = arith.constant 1 : i32
      %scan3A_125 = scf.for %scan3A_142 = %scan3A_121 to %scan3A_123 step %scan3A_124 iter_args(%scan3A_143 = %scan3A_120) -> (i32)  : i32 {
        %mul3A_144 = arith.constant 16 : i32
        %mul3A_145 = arith.muli %scan3A_142, %mul3A_144 : i32
        %get3A = arith.index_cast %mul3A_145 : i32 to index
        %get3A_146 = tpu.vector_load %arg16[%get3A] {strides = array<i32>} : memref<2048xi32, #tpu.memory_space<vmem>>, vector<16xi32>,
        %broadcast_in_dim3A_147 = arith.constant true
        %broadcast_in_dim3A_148 = vector.broadcast %broadcast_in_dim3A_147 : i1 to vector<16xi1>
        %masked_cumsum3A_149 = tpu.scan <sum>, %get3A_146 masked %broadcast_in_dim3A_148 : vector<16xi32>, vector<16xi1> -> vector<16xi32>
        %mul3A_150 = vector.broadcast %sub3A_28 : i32 to vector<16xi32>
        %mul3A_151 = arith.muli %mul3A_150, %get3A_146 : vector<16xi32>
        %add3A_152 = arith.addi %masked_cumsum3A_149, %mul3A_151 : vector<16xi32>
        %sub3A_153 = arith.subi %add3A_152, %get3A_146 : vector<16xi32>
        %add3A_154 = vector.broadcast %scan3A_143 : i32 to vector<16xi32>
        %add3A_155 = arith.addi %sub3A_153, %add3A_154 : vector<16xi32>
        %mul3A_156 = arith.constant 16 : i32
        %mul3A_157 = arith.muli %scan3A_142, %mul3A_156 : i32
        %swap3A = arith.index_cast %mul3A_157 : i32 to index
        %swap3A_158 = tpu.vector_load %arg17[%swap3A] {strides = array<i32>} : memref<2048xi32, #tpu.memory_space<vmem>>, vector<16xi32>,
        tpu.vector_store %arg17[%swap3A], %add3A_155 {strides = array<i32>} : memref<2048xi32, #tpu.memory_space<vmem>>, vector<16xi32>,
        %mul3A_159 = arith.constant 16 : i32
        %mul3A_160 = arith.muli %scan3A_142, %mul3A_159 : i32
        %swap3A_161 = arith.index_cast %mul3A_160 : i32 to index
        %swap3A_162 = tpu.vector_load %arg18[%swap3A_161] {strides = array<i32>} : memref<2048xi32, #tpu.memory_space<vmem>>, vector<16xi32>,
        tpu.vector_store %arg18[%swap3A_161], %add3A_155 {strides = array<i32>} : memref<2048xi32, #tpu.memory_space<vmem>>, vector<16xi32>,
        %reduce_sum3A = arith.constant true
        %reduce_sum3A_163 = vector.broadcast %reduce_sum3A : i1 to vector<16xi1>
        %reduce_sum3A_164 = tpu.scan <sum>, %get3A_146 masked %reduce_sum3A_163 : vector<16xi32>, vector<16xi1> -> vector<16xi32>
        %reduce_sum3A_165 = vector.extract %reduce_sum3A_164[15] : i32 from vector<16xi32>
        %add3A_166 = arith.addi %scan3A_143, %reduce_sum3A_165 : i32
        scf.yield %add3A_166 : i32
      }
      %scan3A_126 = arith.constant 128 : i32
      %scan3A_127 = arith.constant 0 : i32
      %scan3A_128 = arith.constant 0 : i32
      %scan3A_129 = arith.constant 1250 : i32
      %scan3A_130 = arith.addi %scan3A_128, %scan3A_129 : i32
      %scan3A_131 = arith.constant 1 : i32
      %scan3A_132 = scf.for %scan3A_142 = %scan3A_128 to %scan3A_130 step %scan3A_131 iter_args(%scan3A_143 = %scan3A_127) -> (i32)  : i32 {
        %mul3A_144 = arith.constant 16 : i32
        %mul3A_145 = arith.muli %scan3A_142, %mul3A_144 : i32
        %get3A = arith.index_cast %mul3A_145 : i32 to index
        %get3A_146 = tpu.vector_load %arg9[%get3A] {strides = array<i32>} : memref<20000xi32, #tpu.memory_space<vmem>>, vector<16xi32>,
        %shift_right_logical3A = arith.constant 22 : i32
        %shift_right_logical3A_147 = vector.broadcast %shift_right_logical3A : i32 to vector<16xi32>
        %shift_right_logical3A_148 = arith.shrui %get3A_146, %shift_right_logical3A_147 : vector<16xi32>
        %and3A = arith.constant 2047 : i32
        %and3A_149 = vector.broadcast %and3A : i32 to vector<16xi32>
        %and3A_150 = arith.andi %shift_right_logical3A_148, %and3A_149 : vector<16xi32>
        %gather3A = tpu.vector_load_idx %arg18[%and3A_150] : memref<2048xi32, #tpu.memory_space<vmem>>[vector<16xi32>], vector<16xi32>,
        %broadcast_in_dim3A_151 = arith.constant true
        %broadcast_in_dim3A_152 = vector.broadcast %broadcast_in_dim3A_151 : i1 to vector<16xi1>
        %unique3A_153, %unique3A_154 = tpu.scan_count mask(%broadcast_in_dim3A_152 : vector<16xi1>) value(%and3A_150 : vector<16xi32>) : vector<16xi1>, vector<16xi32>
        %sub3A_155 = vector.broadcast %reduce_min3A_17 : i32 to vector<16xi32>
        %sub3A_156 = arith.subi %unique3A_154, %sub3A_155 : vector<16xi32>
        %add3A_157 = arith.addi %gather3A, %sub3A_156 : vector<16xi32>
        %add3A_158 = arith.constant 1 : i32
        %add3A_159 = vector.broadcast %add3A_158 : i32 to vector<16xi32>
        %add3A_160 = arith.addi %add3A_157, %add3A_159 : vector<16xi32>
        tpu.vector_store_idx %arg18[%and3A_150], %add3A_160 masked %unique3A_153 : memref<2048xi32, #tpu.memory_space<vmem>>[vector<16xi32>], vector<16xi32>, vector<16xi1>
        %gather3A_161 = tpu.vector_load_idx %arg14[%and3A_150] : memref<2048xi32, #tpu.memory_space<vmem>>[vector<16xi32>], vector<16xi32>,
        %gather3A_162 = tpu.vector_load_idx %arg17[%and3A_150] : memref<2048xi32, #tpu.memory_space<vmem>>[vector<16xi32>], vector<16xi32>,
        %sub3A_163 = arith.subi %add3A_157, %gather3A_162 : vector<16xi32>
        %add3A_164 = arith.addi %gather3A_161, %sub3A_163 : vector<16xi32>
        %add3A_165 = vector.broadcast %mul3A_4 : i32 to vector<16xi32>
        %add3A_166 = arith.addi %add3A_164, %add3A_165 : vector<16xi32>
        tpu.vector_store_idx %arg13[%add3A_157], %add3A_166 : memref<20000xi32, #tpu.memory_space<vmem>>[vector<16xi32>], vector<16xi32>,
        %xor3A = arith.constant -1 : i32
        %xor3A_167 = vector.broadcast %xor3A : i32 to vector<16xi32>
        %xor3A_168 = arith.xori %get3A_146, %xor3A_167 : vector<16xi32>
        tpu.vector_store_idx %arg11[%add3A_157], %xor3A_168 : memref<20000xi32, #tpu.memory_space<vmem>>[vector<16xi32>], vector<16xi32>,
        %mul3A_169 = arith.constant 16 : i32
        %mul3A_170 = arith.muli %scan3A_142, %mul3A_169 : i32
        %get3A_171 = arith.index_cast %mul3A_170 : i32 to index
        %get3A_172 = tpu.vector_load %arg10[%get3A_171] {strides = array<i32>} : memref<20000xi32, #tpu.memory_space<vmem>>, vector<16xi32>,
        tpu.vector_store_idx %arg12[%add3A_157], %get3A_172 : memref<20000xi32, #tpu.memory_space<vmem>>[vector<16xi32>], vector<16xi32>,
        %scan3A_173 = arith.constant 0 : i32
        scf.yield %scan3A_173 : i32
      }
      %scan3A_133 = arith.constant 1250 : i32
      %scan3A_134 = arith.constant 0 : i32
      %scan3A_135 = arith.constant 0 : i32
      %scan3A_136 = arith.constant 128 : i32
      %scan3A_137 = arith.addi %scan3A_135, %scan3A_136 : i32
      %scan3A_138 = arith.constant 1 : i32
      %scan3A_139 = scf.for %scan3A_142 = %scan3A_135 to %scan3A_137 step %scan3A_138 iter_args(%scan3A_143 = %scan3A_134) -> (i32)  : i32 {
        %mul3A_144 = arith.constant 16 : i32
        %mul3A_145 = arith.muli %scan3A_142, %mul3A_144 : i32
        %get3A = arith.index_cast %mul3A_145 : i32 to index
        %get3A_146 = tpu.vector_load %arg14[%get3A] {strides = array<i32>} : memref<2048xi32, #tpu.memory_space<vmem>>, vector<16xi32>,
        %mul3A_147 = arith.constant 16 : i32
        %mul3A_148 = arith.muli %scan3A_142, %mul3A_147 : i32
        %get3A_149 = arith.index_cast %mul3A_148 : i32 to index
        %get3A_150 = tpu.vector_load %arg16[%get3A_149] {strides = array<i32>} : memref<2048xi32, #tpu.memory_space<vmem>>, vector<16xi32>,
        %add3A_151 = arith.addi %get3A_146, %get3A_150 : vector<16xi32>
        %mul3A_152 = arith.constant 16 : i32
        %mul3A_153 = arith.muli %scan3A_142, %mul3A_152 : i32
        %swap3A = arith.index_cast %mul3A_153 : i32 to index
        %swap3A_154 = tpu.vector_load %arg14[%swap3A] {strides = array<i32>} : memref<2048xi32, #tpu.memory_space<vmem>>, vector<16xi32>,
        tpu.vector_store %arg14[%swap3A], %add3A_151 {strides = array<i32>} : memref<2048xi32, #tpu.memory_space<vmem>>, vector<16xi32>,
        %scan3A_155 = arith.constant 0 : i32
        scf.yield %scan3A_155 : i32
      }
      %scan3A_140 = arith.constant 128 : i32
      %scan3A_141 = arith.constant 0 : i32
      scf.yield %scan3A_141 : i32
    }
    %scan3A_97 = arith.constant 50 : i32
    return
  }
}

</mosaic_0001>

<sc_bundles>
// kernel: _sc_sort.3.cloned.1.call-start
scs
__scs_entry_jumppad:
0x0: {  	(pc) =	sbr.rel $0x88, $3  }
0x1: {  	(tag) =	ssettag $0x0;
	lr =	simm.s32 $0x1  }
0x2: {  	[smem:$0x3FA0] =	sst lr;
	_ =	strace $0xD0000000  }
0x3: {  	_ = 	snop  }
0x4: {  	_ = 	snop  }
0x5: {  	_ = 	snop  }
0x6: {  	_ = 	snop  }
0x7: {  	_ = 	snop  }
__scs_overlays_trampoline_lowered:
0x8: {  	[smem:$0x3FAF] =	sst s0  }
0x9: {  	[smem:$0x3FB0] =	sst s1  }
0xa: {  	[smem:$0x3FB1] =	sst s2  }
0xb: {  	[smem:$0x3FB2] =	sst s3  }
0xc: {  	[smem:$0x3FB3] =	sst s4  }
0xd: {  	[smem:$0x3FB4] =	sst s5  }
0xe: {  	[smem:$0x3FB5] =	sst s6  }
0xf: {  	[smem:$0x3FB6] =	sst s7  }
0x10: {  	[smem:$0x3FB7] =	sst s8  }
0x11: {  	[smem:$0x3FB8] =	sst s9;
	s0 =	simm.s32 @!p0 $0x0  }
0x12: {  	s1 =	sld [smem:$0x3F9E];
	s0 =	simm.s32 @p0 $0x1  }
0x13: {  	[smem:$0x3FB9] =	sst s0;
	s0 =	simm.s32 @!p1 $0x0  }
0x14: {  	s2 =	sld [smem:$0x3F9D];
	s0 =	simm.s32 @p1 $0x1  }
0x15: {  	[smem:$0x3FBA] =	sst s0;
	s0 =	simm.s32 @!p2 $0x0  }
0x16: {  	s3 =	sld [smem:$0x3FDB];
	s0 =	simm.s32 @p2 $0x1  }
0x17: {  	s4 =	simm.s32 $0x1BF5;
	[smem:$0x3FBC] =	sst s0  }
0x18: {  	s0 =	sld [smem:$0x3F9F];
	_ =	swait.ge [sflag:s4], $0x0  }
0x19: {  	s7 =	sld [smem:$0x3FA0]  }
0x1a: {  	s8 =	sadd.s32 $0xFFFFE003, lr  }
0x1b: {  	s9 =	sadd.s32 $0xFFFFFEF7, lr;
	s5 =	simm.s32 $0xFFFFFFFF;
	p2 =	slt.u32 s8, $0xFFFFF086  }
0x1c: {  	p1 =	slt.u32 s9, $0xF7A;
	s5 =	simm.s32 @!p2 $0x0  }
0x1d: {  	s5 =	simm.s32 @p1 $0x1;
	p0 =	seq.s32 s7, s2  }
0x1e: {  	s7 =	smul.u32 @!p0 $0xF7A, s2;
	p2 =	seq.s32 @!p0 s5, $0x0  }
0x1f: {  	s9 =	smul.u32 $0xF7A, s1;
	s8 =	simm.s32 @!p0 $0x1BF5;
	p2 =	por !p2, p0  }
0x20: {  	[sflag:s8] =	ssyncset.s32 @!p0 $0xFFFFF086;
	s6 =	sadd.s32 @!p0 s3, s7;
	s7 =	simm.s32 @!p0 $0x108  }
0x21: {  	s3 =	sadd.s32 s3, s9;
	s6 =	sadd.s32 @!p0 $0x88, s6;
	s7 =	simm.s32 @p2 $0x1082  }
0x22: {  	[simem:s7], [sflag:s8] =	dma.local @!p0 [hbm:s6], $0xF7A  }
0x23: {  	s9 =	sor.u32 $0xD0000000, s2;
	s6 =	simm.s32 $0x108;
	_ =	swait.ge @!p0 [sflag:s8], $0x0  }
0x24: {  	s3 =	sadd.s32 $0x88, s3;
	s6 =	simm.s32 @!p1 $0x1082;
	[sflag:s4] =	ssyncset.s32 $0xFFFFF086  }
0x25: {  	[simem:s6], [sflag:s4] =	dma.local [hbm:s3], $0xF7A  }
0x26: {  	[smem:$0x3FA0] =	sst s1;
	(tag) =	ssettag s2;
	_ =	strace s9  }
0x27: {  	s1 =	sld [smem:$0x3FB0]  }
0x28: {  	s2 =	sld [smem:$0x3FB1]  }
0x29: {  	s4 =	sld [smem:$0x3FB3]  }
0x2a: {  	p0 =	seq.s32 s5, $0x0;
	s5 =	sld [smem:$0x3FB4]  }
0x2b: {  	s6 =	sld [smem:$0x3FB5]  }
0x2c: {  	s7 =	sld [smem:$0x3FB6]  }
0x2d: {  	s3 =	simm.s32 $0x108;
	s8 =	sld [smem:$0x3FB7]  }
0x2e: {  	s3 =	simm.s32 @!p0 $0x1082;
	s9 =	sld [smem:$0x3FB8]  }
0x2f: {  	lr =	sadd.s32 s0, s3;
	s0 =	sld [smem:$0x3FAF]  }
0x30: {  	s3 =	sld [smem:$0x3FB2]  }
0x31: {  	[smem:$0x3FBB] =	sst s10  }
0x32: {  	s10 =	sld [smem:$0x3FB9];
	_ =	sdelay $0x3  }
0x33: {  	p0 =	seq.s32 s10, $0x1;
	s10 =	sld [smem:$0x3FBB];
	_ =	sdelay $0x3  }
0x34: {  	[smem:$0x3FBB] =	sst s10  }
0x35: {  	s10 =	sld [smem:$0x3FBA];
	_ =	sdelay $0x3  }
0x36: {  	p1 =	seq.s32 s10, $0x1;
	s10 =	sld [smem:$0x3FBB];
	_ =	sdelay $0x3  }
0x37: {  	[smem:$0x3FBB] =	sst s10  }
0x38: {  	s10 =	sld [smem:$0x3FBC]  }
0x39: {  	_ = 	snop;
	(pc) =	sbr.ind lr, $3  }
0x3a: {  	_ = 	snop  }
0x3b: {  	_ = 	snop  }
0x3c: {  	p2 =	seq.s32 s10, $0x1;
	s10 =	sld [smem:$0x3FBB]  }
0x3d: {  	_ =	shalt  }
0x3e: {  	_ =	shalt  }
0x3f: {  	_ =	shalt  }
0x40: {  	_ =	shalt  }
0x41: {  	_ =	shalt  }
0x42: {  	_ =	shalt  }
0x43: {  	_ =	shalt  }
0x44: {  	_ =	shalt  }
0x45: {  	_ =	shalt  }
0x46: {  	_ =	shalt  }
0x47: {  	_ =	shalt  }
0x48: {  	_ =	shalt  }
0x49: {  	_ =	shalt  }
0x4a: {  	_ =	shalt  }
0x4b: {  	_ =	shalt  }
0x4c: {  	_ =	shalt  }
0x4d: {  	_ =	shalt  }
0x4e: {  	_ =	shalt  }
0x4f: {  	_ =	shalt  }
0x50: {  	_ =	shalt  }
0x51: {  	_ =	shalt  }
0x52: {  	_ =	shalt  }
0x53: {  	_ =	shalt  }
0x54: {  	_ =	shalt  }
0x55: {  	_ =	shalt  }
0x56: {  	_ =	shalt  }
0x57: {  	_ =	shalt  }
0x58: {  	_ =	shalt  }
0x59: {  	_ =	shalt  }
0x5a: {  	_ =	shalt  }
0x5b: {  	_ =	shalt  }
0x5c: {  	_ =	shalt  }
0x5d: {  	_ =	shalt  }
0x5e: {  	_ =	shalt  }
0x5f: {  	_ =	shalt  }
0x60: {  	_ =	shalt  }
0x61: {  	_ =	shalt  }
0x62: {  	_ =	shalt  }
0x63: {  	_ =	shalt  }
0x64: {  	_ =	shalt  }
0x65: {  	_ =	shalt  }
0x66: {  	_ =	shalt  }
0x67: {  	_ =	shalt  }
0x68: {  	_ =	shalt  }
0x69: {  	_ =	shalt  }
0x6a: {  	_ =	shalt  }
0x6b: {  	_ =	shalt  }
0x6c: {  	_ =	shalt  }
0x6d: {  	_ =	shalt  }
0x6e: {  	_ =	shalt  }
0x6f: {  	_ =	shalt  }
0x70: {  	_ =	shalt  }
0x71: {  	_ =	shalt  }
0x72: {  	_ =	shalt  }
0x73: {  	_ =	shalt  }
0x74: {  	_ =	shalt  }
0x75: {  	_ =	shalt  }
0x76: {  	_ =	shalt  }
0x77: {  	_ =	shalt  }
0x78: {  	_ =	shalt  }
0x79: {  	_ =	shalt  }
0x7a: {  	_ =	shalt  }
0x7b: {  	_ =	shalt  }
0x7c: {  	_ =	shalt  }
0x7d: {  	_ =	shalt  }
0x7e: {  	_ =	shalt  }
0x7f: {  	_ =	shalt  }
0x80: {  	_ =	shalt  }
0x81: {  	_ =	shalt  }
0x82: {  	_ =	shalt  }
0x83: {  	_ =	shalt  }
0x84: {  	_ =	shalt  }
0x85: {  	_ =	shalt  }
0x86: {  	_ =	shalt  }
0x87: {  	_ =	shalt  }
.Lfunc_end0:
.L_simem_size_0:
called_computation_lowered:
.L_overlay_start_0:
0x88: {  	s2 =	sld [smem:$0x3FD9]  }
0x89: {  	s3 =	sld [smem:$0x3FFE];
	_ =	sdelay $0x1  }
0x8a: {  	s1 =	srdreg.scid  }
0x8b: {  	s0 =	sand.u32 $0x1, s1  }
0x8c: {  	s16 =	sshll.u32 s0, $0xA;
	s2 =	sadd.s32 s3, s2  }
0x8d: {  	s2 =	sadd.s32 s2, s16  }
0x8e: {  	[smem:$0x3FC7] =	sst s2  }
0x8f: {  	_ = 	snop  }
0x90: {  	(tm) =	ssettm $0x1  }
0x91: {  	s17 =	sld [smem:$0x3FFB];
	_ =	sdelay $0x3  }
0x92: {  	_ =	strace s17  }
0x93: {  	s2 =	sld [smem:$0x3FFC];
	_ =	sdelay $0x3  }
0x94: {  	_ =	strace s2  }
0x95: {  	s2 =	sld [smem:$0x3FFD];
	_ =	sdelay $0x3  }
0x96: {  	_ =	strace s2  }
0x97: {  	_ =	strace $0x8FFFFFFF  }
0x98: {  	s18 =	sld [smem:$0x3FDB];
	_ =	sdelay $0x1  }
0x99: {  	s19 =	simm.s32 $_scs_section_size  }
0x9a: {  	s4 =	simm.s32 $_size__tile_overlayer_lowered;
	s5 =	simm.s32 $_tile_overlayer_lowered  }
0x9b: {  	s22 =	simm.s32 $0x1BFF;
	s21 =	sshll.u32 s5, $0x1;
	s2 =	sadd.s32 s19, s18  }
0x9c: {  	s6 =	simm.s32 $0x0;
	s20 =	sshll.u32 s4, $0x1;
	s4 =	sadd.s32 s21, s2  }
0x9d: {  	[timem:s6], [sflag:s22] =	dma.local [hbm:s4], s20  }
0x9e: {  	_ =	swait.ge [sflag:s22], s20  }
0x9f: {  	s3 =	ssub.s32 $0x0, s20;
	[sflag:s22] =	ssyncset.done $0x0  }
0xa0: {  	[sflag:s22] =	ssyncadd.s32 s3;
	_ =	sdelay $0x1  }
0xa1: {  	s23 =	simm.s32 $0x1B8B  }
0xa2: {  	_ =	swait.ge [sflag:s23], $0x1  }
0xa3: {  	[sflag:s23] =	ssyncset.done $0x0  }
0xa4: {  	s25 =	simm.s32 $0x1B8E;
	s24 =	sld [smem:$0x3FFE];
	[sflag:s23] =	ssyncadd.s32 $0xFFFFFFFF  }
0xa5: {  	s26 =	simm.s32 $execute0_lowered;
	[smem:$0x3FD2] =	sst s25  }
0xa6: {  	s4 =	sshll.u32 s26, $0x1;
	_ =	strace $0x80000046;
	[dreg:$0x1] =	wrdreg $0xFFFFFFFF  }
0xa7: {  	s28 =	simm.s32 $_size_execute0_lowered;
	s2 =	sadd.s32 s2, s4;
	[dreg:$0x0] =	wrdreg $0x0  }
0xa8: {  	s4 =	sshll.u32 s28, $0x1;
	[dreg:$0x2] =	wrdreg s2  }
0xa9: {  	[dreg:$0x3] =	wrdreg s4  }
0xaa: {  	[dreg:$0x4] =	wrdreg $0xC0  }
0xab: {  	_ =	task [dreg:s6], $0x5FFFF  }
0xac: {  	[dreg:$0x1] =	wrdreg $0xFFFFFFFF  }
0xad: {  	[dreg:$0x0] =	wrdreg $0x60  }
0xae: {  	[dreg:$0x2] =	wrdreg s24  }
0xaf: {  	[dreg:$0x3] =	wrdreg $0x9  }
0xb0: {  	_ =	task.clear_ibuf [dreg:s6], $0x4FFFF;
	_ =	strace $0x90000046  }
0xb1: {  	s29 =	simm.s32 $0x9;
	_ =	strace $0x80000048  }
0xb2: {  	_ =	swait.ge [sflag:s29], $0x1  }
0xb3: {  	[sflag:s29] =	ssyncadd.s32 $0xFFFFFFFF  }
0xb4: {  	_ =	strace $0x90000048  }
0xb5: {  	_ =	sfence  }
0xb6: {  	s30 =	sld [smem:$0x0];
	_ =	sdelay $0x2  }
0xb7: {  	s31 =	sshll.u32 s1, $0xD;
	s1 =	sshrl.u32 s1, $0x2  }
0xb8: {  	s3 =	sand.u32 $0x4000, s31;
	s1 =	sadd.s32 s1, s30  }
0xb9: {  	s0 =	sor.u32 s3, s0;
	s1 =	sshll.u32 s1, $0x11  }
0xba: {  	s0 =	sor.u32 s1, s0  }
0xbb: {  	s0 =	sadd.s32 $0x8F2B, s0  }
0xbc: {  	[sflag:s0] =	ssyncadd.remote.s32 $0x1  }
0xbd: {  	_ =	sfence.sel $0xFFFF  }
0xbe: {  	[dreg:$0x0] =	wrdreg $0xFFFFFFFF;
	(pc) =	sbr.abs _section_cstart, $3  }
0xbf: {  	[dreg:$0x1] =	wrdreg $0xFFFFFFFF  }
0xc0: {  	_ =	task.clear_ibuf [dreg:s6], $0x2FFFF;
	_ =	strace $0x9FFFFFFF  }
0xc1: {  	(tm) =	ssettm $0x7FFFFFFF  }
tec
execute0_lowered:
.L_overlay_start_1:
0x0: {  	(tag) =	ssettag $0x1  }
0x1: {  	s7 =	rddreg [dreg:$0x0];
	s1 =	simm.s32 $0x0  }
0x2: {  	[smem:$0x7FF] =	sst s1  }
0x3: {  	s0 =	rddreg [dreg:$0x1];
	v0 =	vimm.s32 $0x0;
	_ =	strace $0x80000047  }
0x4: {  	(xrf1) =	vunique.msk.u32 $0xffff, v0;
	_ =	sdelay $0xd  }
0x5: {  	_, v1, _ =	vpop (xrf1)  }
0x6: {  	v1 =	vxor.u32 $0x80000000, v1  }
0x7: {  	(xrf0) =	vmin.scan.msk.u32 $0xffff, v1;
	v1 =	vimm.s32 $0x1  }
0x8: {  	(xrf0) =	vadd.scan.msk.s32 $0xffff, v1;
	_ =	sdelay $0x4  }
0x9: {  	v1, _, _ =	vpop (xrf0)  }
0xa: {  	v2, _, _ =	vpop (xrf0)  }
0xb: {  	v2 =	vxor.u32 $0x80000000, v2  }
0xc: {  	(xrf0) =	vmin.scan.msk.u32 $0xffff, v2;
	_ =	sdelay $0x5  }
0xd: {  	(v2sf) =	vpush v1, $0xF;
	v1, _, _ =	vpop (xrf0)  }
0xe: {  	(v2sf) =	vpush v1, $0xF;
	_ =	sdelay $0x7  }
0xf: {  	s6 =	srdreg.scid  }
0x10: {  	s2 =	stileid.u32;
	s13 =	simm.s32 $0x19080;
	s15 =	simm.s32 $0x1A080  }
0x11: {  	s16 =	simm.s32 $0x13A00;
	s18 =	simm.s32 $0xEB80;
	s19 =	simm.s32 $0x4E80  }
0x12: {  	s3 =	sadd.s32 $0xA00, s7;
	s4 =	sadd.s32 $0x3D1600, s7;
	s5 =	sadd.s32 $0x7A2000, s7  }
0x13: {  	s8 =	sand.u32 $0x1, s6;
	s6 =	sadd.s32 $0xB72A00, s7;
	s11 =	sshll.u32 s2, $0x1  }
0x14: {  	s7 =	sadd.s32 $0xF43400, s7;
	s10 =	ssub.s32 $0x2, s8;
	s11 =	sor.u32 s8, s11  }
0x15: {  	s12 =	sshrl.u32 s10, $0x1;
	s8 =	smul.u32 $0xF4240, s11;
	s9 =	spop (v2sf)  }
0x16: {  	s17 =	sshll.u32 s11, $0x14;
	s9 =	sxor.u32 $0x80000000, s9;
	s30 =	spop (v2sf)  }
0x17: {  	s11 =	simm.s32 $0x18880;
	s10 =	ssub.s32 s10, s12;
	v1 =	vmov s9;
	s31 =	sxor.u32 $0x80000000, s30  }
0x18: {  	v6 =	vlaneseq.u32;
	s12 =	simm.s32 $0x19880;
	v5 =	vmov s17;
	s17 =	simm.s32 $0x9D00;
	v2 =	vsub.s32 $0x1, v1;
	s14 =	ssub.s32 $0x1, s31  }
0x19: {  	v4 =	vmov s8;
	s9 =	smax.u32 s10, $0x1;
	s10 =	simm.s32 $0x1;
	v2 =	vbroadcast v2, $0x0;
	v3 =	vmov s14;
	s14 =	simm.s32 $0x1A880  }
.LBB2_1:
0x1a: {  	s20 =	simm.s32 $0x40;
	s21 =	simm.s32 $0x0  }
.LBB2_2:
0x1b: {  	p0 =	sne.s32 s20, $0x1FC0;
	[tilespmem:s21+$0x18880] =	vst v0;
	s21 =	smov.u32 s20;
	s20 =	sadd.s32 $0x40, s20  }
.Ltmp0:
0x1c: {  	(pc) =	sbr.rel @p0 .LBB2_2-.Ltmp0, $2  }
0x1d: {  	_ =	sdelay $0x2  }
0x1e: {  	s21 =	sshra.s32 s21, $0x2  }
0x1f: {  	[tilespmem:s21+$0x18880] =	vst v0;
	s20 =	simm.s32 $0x0;
	s21 =	simm.s32 $0x0  }
.LBB2_4:
0x20: {  	s22 =	smul.u32 $0x4E20, s21;
	_ =	sdelay $0x1  }
0x21: {  	s22 =	sadd.s32 s8, s22  }
0x22: {  	s22 =	sshrl.u32 s22, $0x3  }
0x23: {  	s22 =	sadd.s32 s3, s22  }
0x24: {  	[tilespmem:s20], [sflag:$0x1] =	stream.linear.gather [hbm4b:s22+s20], $0x4E20, $0x38;
	[tilespmem:$0x1B080] =	vst v63  }
0x25: {  	_ =	swait.ge [sflag:s10], $0x4E20  }
0x26: {  	[sflag:s10] =	ssyncset.done $0x0  }
0x27: {  	s23 =	simm.s32 $0x0;
	s22 =	simm.s32 $0x40;
	[sflag:s10] =	ssyncadd.s32 $0xFFFFB1E0  }
.LBB2_5:
0x28: {  	p0 =	sne.s32 s22, $0x13840;
	v7 =	vld [tilespmem:s23+$0x0];
	_ =	sdelay $0x4  }
0x29: {  	v7 =	vand.u32 $0x7FF, v7  }
0x2a: {  	(xrf1) =	vunique.msk.u32 $0xffff, v7;
	_ =	sdelay $0xb  }
0x2b: {  	v8 =	vld.idx.msk [tilespmem:v7+s11+$0x0], $0xffff;
	_ =	sdelay $0x1  }
0x2c: {  	_, v9, vm0 =	vpop (xrf1);
	_ =	sdelay $0x1  }
.Ltmp1:
0x2d: {  	(pc) =	sbr.rel @p0 .LBB2_5-.Ltmp1, $4  }
0x2e: {  	_ = 	snop  }
0x2f: {  	v8 =	vadd.s32 v8, v2  }
0x30: {  	v8 =	vadd.s32 v9, v8  }
0x31: {  	s23 =	sshra.s32 s22, $0x2;
	s22 =	sadd.s32 $0x40, s22;
	[tilespmem:v7+s11+$0x0] =	vst.idx.msk vm0, v8  }
0x32: {  	v7 =	vld [tilespmem:s23+$0x0];
	_ =	sdelay $0x4  }
0x33: {  	v7 =	vand.u32 $0x7FF, v7  }
0x34: {  	(xrf1) =	vunique.msk.u32 $0xffff, v7;
	_ =	sdelay $0xc  }
0x35: {  	v8 =	vld.idx.msk [tilespmem:v7+s11+$0x0], $0xffff  }
0x36: {  	s21 =	sadd.s32 $0x1, s21;
	_, v9, vm0 =	vpop (xrf1)  }
0x37: {  	p0 =	sne.s32 s21, $0x32  }
.Ltmp2:
0x38: {  	_ = 	snop;
	(pc) =	sbr.rel @p0 .LBB2_4-.Ltmp2, $4  }
0x39: {  	_ = 	snop  }
0x3a: {  	v8 =	vadd.s32 v8, v2  }
0x3b: {  	v8 =	vadd.s32 v9, v8  }
0x3c: {  	s22 =	simm.s32 $0x0;
	[tilespmem:v7+s11+$0x0] =	vst.idx.msk vm0, v8  }
0x3d: {  	s20 =	sshra.s32 s22, $0x2  }
0x3e: {  	v7 =	vld [tilespmem:s20+$0x18880];
	_ =	sdelay $0x4  }
0x3f: {  	(xrf0) =	vadd.scan.msk.s32 $0xffff, v7;
	_ =	sdelay $0x5  }
0x40: {  	v9, _, _ =	vpop (xrf0)  }
0x41: {  	v8 =	vmul.u32 v3, v7;
	(v2sf) =	vpush v9, $0xF  }
0x42: {  	v7 =	vsub.s32 s22, v7  }
0x43: {  	v7 =	vadd.s32 v8, v7  }
0x44: {  	s21 =	sadd.s32 $0x40, s22;
	v7 =	vadd.s32 v9, v7  }
0x45: {  	[tilespmem:s20+$0x18880] =	vst v7;
	s20 =	sshra.s32 s21, $0x2;
	s21 =	sadd.s32 $0x40, s21  }
.LBB2_8:
0x46: {  	p0 =	sne.s32 s21, $0x1FC0;
	v7 =	vld [tilespmem:s20+$0x18880];
	_ =	sdelay $0x4  }
0x47: {  	v8 =	vmul.u32 v3, v7;
	(xrf0) =	vadd.scan.msk.s32 $0xffff, v7;
	_ =	sdelay $0x4  }
0x48: {  	s23 =	spop (v2sf)  }
0x49: {  	v9, _, _ =	vpop (xrf0);
	s22 =	sadd.s32 s22, s23  }
.Ltmp3:
0x4a: {  	v7 =	vsub.s32 s22, v7;
	(v2sf) =	vpush v9, $0xF;
	(pc) =	sbr.rel @p0 .LBB2_8-.Ltmp3, $4  }
0x4b: {  	v7 =	vadd.s32 v8, v7  }
0x4c: {  	v7 =	vadd.s32 v9, v7  }
0x4d: {  	[tilespmem:s20+$0x18880] =	vst v7  }
0x4e: {  	s20 =	sshra.s32 s21, $0x2;
	s21 =	sadd.s32 $0x40, s21  }
0x4f: {  	v7 =	vld [tilespmem:s20+$0x18880];
	_ =	sdelay $0x4  }
0x50: {  	(xrf0) =	vadd.scan.msk.s32 $0xffff, v7;
	_ =	sdelay $0x5  }
0x51: {  	v8, _, _ =	vpop (xrf0)  }
0x52: {  	(v2sf) =	vpush v8, $0xF;
	_ =	sdelay $0x9  }
0x53: {  	s21 =	spop (v2sf)  }
0x54: {  	v9 =	vmul.u32 v3, v7;
	s21 =	sadd.s32 s22, s21  }
0x55: {  	v7 =	vsub.s32 s21, v7  }
0x56: {  	v7 =	vadd.s32 v9, v7  }
0x57: {  	v7 =	vadd.s32 v8, v7  }
0x58: {  	s21 =	simm.s32 $0x0;
	[tilespmem:s20+$0x18880] =	vst v7;
	s20 =	simm.s32 $0x40;
	s31 =	spop (v2sf)  }
.LBB2_10:
0x59: {  	p0 =	sne.s32 s20, $0x1FC0;
	[tilespmem:s21+$0x19080] =	vst v0;
	s21 =	smov.u32 s20;
	s20 =	sadd.s32 $0x40, s20  }
.Ltmp4:
0x5a: {  	(pc) =	sbr.rel @p0 .LBB2_10-.Ltmp4, $2  }
0x5b: {  	_ =	sdelay $0x2  }
0x5c: {  	s21 =	sshra.s32 s21, $0x2  }
0x5d: {  	[tilespmem:s21+$0x19080] =	vst v0;
	s20 =	simm.s32 $0x0;
	s21 =	simm.s32 $0x0;
	s22 =	simm.s32 $0x0  }
.LBB2_12:
0x5e: {  	s23 =	smul.u32 $0x4E20, s22;
	_ =	sdelay $0x1  }
0x5f: {  	s23 =	sadd.s32 s8, s23  }
0x60: {  	s23 =	sshrl.u32 s23, $0x3  }
0x61: {  	s23 =	sadd.s32 s3, s23  }
0x62: {  	[tilespmem:s20], [sflag:$0x1] =	stream.linear.gather [hbm4b:s23+s20], $0x4E20, $0x38;
	[tilespmem:$0x1B080] =	vst v63  }
0x63: {  	_ =	swait.ge [sflag:s10], $0x4E20  }
0x64: {  	[sflag:s10] =	ssyncset.done $0x0  }
0x65: {  	s24 =	simm.s32 $0x0;
	s23 =	simm.s32 $0x40;
	[sflag:s10] =	ssyncadd.s32 $0xFFFFB1E0  }
.LBB2_13:
0x66: {  	p0 =	sne.s32 s23, $0x1FC0;
	[tilespmem:s24+$0x19880] =	vst v0;
	s24 =	smov.u32 s23;
	s23 =	sadd.s32 $0x40, s23  }
.Ltmp5:
0x67: {  	(pc) =	sbr.rel @p0 .LBB2_13-.Ltmp5, $2  }
0x68: {  	_ =	sdelay $0x2  }
0x69: {  	s24 =	sshra.s32 s24, $0x2  }
0x6a: {  	[tilespmem:s24+$0x19880] =	vst v0;
	s23 =	simm.s32 $0x0  }
0x6b: {  	v7 =	vld [tilespmem:s23+$0x0];
	_ =	sdelay $0x4  }
0x6c: {  	v8 =	vand.u32 $0x7FF, v7  }
0x6d: {  	(xrf1) =	vunique.msk.u32 $0xffff, v8;
	_ =	sdelay $0x6  }
0x6e: {  	v7 =	vshrl.u32 v7, $0xB  }
0x6f: {  	v7 =	vand.u32 $0x7FF, v7  }
0x70: {  	(xrf1) =	vunique.msk.u32 $0xffff, v7;
	_ =	sdelay $0x3  }
0x71: {  	v9 =	vld.idx.msk [tilespmem:v8+s12+$0x0], $0xffff  }
0x72: {  	_, v10, vm0 =	vpop (xrf1);
	_ =	sdelay $0x3  }
0x73: {  	v9 =	vadd.s32 v9, v2  }
0x74: {  	v9 =	vadd.s32 v10, v9  }
0x75: {  	[tilespmem:v8+s12+$0x0] =	vst.idx.msk vm0, v9  }
0x76: {  	v8 =	vld.idx.msk [tilespmem:v7+s13+$0x0], $0xffff;
	_ =	sdelay $0x1  }
0x77: {  	_, v9, vm0 =	vpop (xrf1);
	_ =	sdelay $0x2  }
0x78: {  	v8 =	vadd.s32 v8, v2  }
0x79: {  	s24 =	simm.s32 $0x40;
	s25 =	simm.s32 $0x80;
	s23 =	simm.s32 $0x0;
	v8 =	vadd.s32 v9, v8  }
.LBB2_15:
0x7a: {  	p0 =	sne.s32 s25, $0x13840  }
0x7b: {  	s26 =	sshra.s32 s24, $0x2;
	[tilespmem:v7+s13+$0x0] =	vst.idx.msk vm0, v8;
	s24 =	smov.u32 s25;
	s25 =	sadd.s32 $0x40, s25  }
0x7c: {  	v7 =	vld [tilespmem:s26+$0x0];
	_ =	sdelay $0x4  }
0x7d: {  	v8 =	vand.u32 $0x7FF, v7;
	v7 =	vshrl.u32 v7, $0xB  }
0x7e: {  	(xrf1) =	vunique.msk.u32 $0xffff, v8;
	_ =	sdelay $0x7  }
0x7f: {  	v7 =	vand.u32 $0x7FF, v7  }
0x80: {  	(xrf1) =	vunique.msk.u32 $0xffff, v7;
	_ =	sdelay $0x2  }
0x81: {  	v9 =	vld.idx.msk [tilespmem:v8+s12+$0x0], $0xffff;
	_ =	sdelay $0x1  }
0x82: {  	_, v10, vm0 =	vpop (xrf1);
	_ =	sdelay $0x3  }
0x83: {  	v9 =	vadd.s32 v9, v2  }
0x84: {  	v9 =	vadd.s32 v10, v9  }
0x85: {  	[tilespmem:v8+s12+$0x0] =	vst.idx.msk vm0, v9  }
0x86: {  	v8 =	vld.idx.msk [tilespmem:v7+s13+$0x0], $0xffff;
	_ =	sdelay $0x1  }
0x87: {  	_, v9, vm0 =	vpop (xrf1)  }
.Ltmp6:
0x88: {  	(pc) =	sbr.rel @p0 .LBB2_15-.Ltmp6, $3  }
0x89: {  	_ =	sdelay $0x1  }
0x8a: {  	v8 =	vadd.s32 v8, v2  }
0x8b: {  	v8 =	vadd.s32 v9, v8  }
0x8c: {  	_ =	sdelay $0x4  }
0x8d: {  	s24 =	sshra.s32 s24, $0x2;
	[tilespmem:v7+s13+$0x0] =	vst.idx.msk vm0, v8  }
0x8e: {  	v7 =	vld [tilespmem:s24+$0x0];
	_ =	sdelay $0x4  }
0x8f: {  	v8 =	vand.u32 $0x7FF, v7  }
0x90: {  	(xrf1) =	vunique.msk.u32 $0xffff, v8;
	_ =	sdelay $0x5  }
0x91: {  	v7 =	vshrl.u32 v7, $0xB  }
0x92: {  	v7 =	vand.u32 $0x7FF, v7  }
0x93: {  	(xrf1) =	vunique.msk.u32 $0xffff, v7;
	_ =	sdelay $0x3  }
0x94: {  	v9 =	vld.idx.msk [tilespmem:v8+s12+$0x0], $0xffff;
	_ =	sdelay $0x1  }
0x95: {  	_, v10, vm15 =	vpop (xrf1);
	_ =	sdelay $0x2  }
0x96: {  	v9 =	vadd.s32 v9, v2  }
0x97: {  	v9 =	vadd.s32 v10, v9;
	_ =	sdelay $0x1  }
0x98: {  	[tilespmem:v8+s12+$0x0] =	vst.idx.msk vm15, v9  }
0x99: {  	v8 =	vld.idx.msk [tilespmem:v7+s13+$0x0], $0xffff  }
0x9a: {  	_, v9, vm0 =	vpop (xrf1);
	_ =	sdelay $0x3  }
0x9b: {  	v8 =	vadd.s32 v8, v2  }
0x9c: {  	v8 =	vadd.s32 v9, v8  }
0x9d: {  	s28 =	simm.s32 $0x0;
	[tilespmem:v7+s13+$0x0] =	vst.idx.msk vm0, v8  }
0x9e: {  	s24 =	simm.s32 $0x10;
	v12 =	vld [tilespmem:s28+$0x19880]  }
0x9f: {  	v8 =	vld [tilespmem:s24+$0x19880];
	_ =	sdelay $0x3  }
0xa0: {  	(xrf0) =	vadd.scan.msk.s32 $0xffff, v12  }
0xa1: {  	(xrf0) =	vadd.scan.msk.s32 $0xffff, v8;
	_ =	sdelay $0x3  }
0xa2: {  	s25 =	simm.s32 $0x20  }
0xa3: {  	v7 =	vld [tilespmem:s25+$0x19880];
	v14, _, _ =	vpop (xrf0)  }
0xa4: {  	(v2sf) =	vpush v14, $0xF;
	v10, _, _ =	vpop (xrf0)  }
0xa5: {  	(v2sf) =	vpush v10, $0xF;
	_ =	sdelay $0x2  }
0xa6: {  	s26 =	simm.s32 $0x30;
	(xrf0) =	vadd.scan.msk.s32 $0xffff, v7  }
0xa7: {  	v11 =	vld [tilespmem:s26+$0x19880];
	_ =	sdelay $0x3  }
0xa8: {  	s29 =	simm.s32 $0x100;
	v15 =	vmul.u32 v3, v12;
	v13 =	vmul.u32 v3, v8;
	v9 =	vmul.u32 v3, v7  }
.LBB2_17:
0xa9: {  	p0 =	sne.s32 s29, $0x1FC0;
	v16 =	vmul.u32 v3, v11;
	v17, _, _ =	vpop (xrf0)  }
0xaa: {  	(xrf0) =	vadd.scan.msk.s32 $0xffff, v11;
	v18 =	vsub.s32 s23, v12;
	v12 =	vmovc v8;
	v8 =	vmov v7;
	v7 =	vmov v11;
	s30 =	smov.u32 s26;
	s26 =	sshra.s32 s29, $0x2;
	s29 =	sadd.s32 $0x40, s29  }
.Ltmp7:
0xab: {  	v11 =	vld [tilespmem:s26+$0x19880];
	(v2sf) =	vpush v17, $0xF;
	v18 =	vadd.s32 v15, v18;
	v15 =	vmovc v13;
	v13 =	vmov v9;
	(pc) =	sbr.rel @p0 .LBB2_17-.Ltmp7, $4  }
0xac: {  	v18 =	vadd.s32 v14, v18;
	v9 =	vmovc v16;
	v14 =	vmov v10;
	v10 =	vmov v17  }
0xad: {  	[tilespmem:s28+$0x1A080] =	vst v18  }
0xae: {  	[tilespmem:s28+$0x1A880] =	vst v18;
	s31 =	spop (v2sf);
	s28 =	smov.u32 s24;
	s24 =	smov.u32 s25  }
0xaf: {  	s25 =	smov.u32 s30;
	s23 =	sadd.s32 s23, s31  }
0xb0: {  	v16, _, _ =	vpop (xrf0)  }
0xb1: {  	(v2sf) =	vpush v16, $0xF;
	_ =	sdelay $0xa  }
0xb2: {  	v12 =	vsub.s32 s23, v12;
	s29 =	spop (v2sf)  }
0xb3: {  	(xrf0) =	vadd.scan.msk.s32 $0xffff, v11;
	v12 =	vadd.s32 v15, v12;
	s30 =	sadd.s32 s23, s29  }
0xb4: {  	v12 =	vadd.s32 v14, v12;
	v8 =	vsub.s32 s30, v8;
	s31 =	spop (v2sf)  }
0xb5: {  	[tilespmem:s28+$0x1A080] =	vst v12;
	v8 =	vadd.s32 v13, v8;
	s23 =	sadd.s32 s30, s31  }
0xb6: {  	[tilespmem:s28+$0x1A880] =	vst v12;
	v8 =	vadd.s32 v10, v8;
	v7 =	vsub.s32 s23, v7;
	s29 =	spop (v2sf)  }
0xb7: {  	v10 =	vmul.u32 v3, v11;
	[tilespmem:s24+$0x1A080] =	vst v8;
	v7 =	vadd.s32 v9, v7;
	s23 =	sadd.s32 s23, s29  }
0xb8: {  	[tilespmem:s24+$0x1A880] =	vst v8;
	v7 =	vadd.s32 v16, v7;
	v8 =	vsub.s32 s23, v11  }
0xb9: {  	v9, _, _ =	vpop (xrf0);
	[tilespmem:s25+$0x1A080] =	vst v7;
	v8 =	vadd.s32 v10, v8  }
0xba: {  	[tilespmem:s25+$0x1A880] =	vst v7;
	v7 =	vadd.s32 v9, v8  }
0xbb: {  	[tilespmem:s26+$0x1A080] =	vst v7  }
0xbc: {  	s30 =	simm.s32 $0x0;
	[tilespmem:s26+$0x1A880] =	vst v7  }
0xbd: {  	v8 =	vld [tilespmem:s30+$0x0];
	_ =	sdelay $0x4  }
0xbe: {  	v10 =	vand.u32 $0x7FF, v8  }
0xbf: {  	(xrf1) =	vunique.msk.u32 $0xffff, v10;
	_ =	sdelay $0xc  }
0xc0: {  	v7 =	vld.idx.msk [tilespmem:v10+s14+$0x0], $0xffff  }
0xc1: {  	(v2sf) =	vpush v9, $0xF;
	_, v9, vm0 =	vpop (xrf1);
	_ =	sdelay $0x2  }
0xc2: {  	v9 =	vsub.s32 v9, v1  }
0xc3: {  	v7 =	vadd.s32 v7, v9  }
0xc4: {  	v9 =	vadd.s32 $0x1, v7  }
0xc5: {  	[tilespmem:v10+s14+$0x0] =	vst.idx.msk vm0, v9  }
0xc6: {  	v9 =	vld.idx.msk [tilespmem:v10+s11+$0x0], $0xffff  }
0xc7: {  	v10 =	vld.idx.msk [tilespmem:v10+s15+$0x0], $0xffff;
	_ =	sdelay $0x3  }
0xc8: {  	v9 =	vadd.s32 v4, v9  }
0xc9: {  	v9 =	vsub.s32 v9, v10  }
0xca: {  	v9 =	vadd.s32 v7, v9  }
0xcb: {  	s24 =	smov.u32 s21;
	s25 =	simm.s32 $0x40;
	[tilespmem:v7+s16+$0x0] =	vst.idx.msk $0xffff, v9  }
0xcc: {  	s23 =	simm.s32 $0x40;
	s26 =	simm.s32 $0x80;
	s31 =	spop (v2sf);
	[tilespmem:v7+s17+$0x0] =	vst.idx.msk $0xffff, v8;
	v8 =	vor.u32 s21, v6  }
.LBB2_19:
0xcd: {  	s28 =	sshra.s32 s25, $0x2  }
0xce: {  	[tilespmem:v7+s18+$0x0] =	vst.idx.msk $0xffff, v8;
	s24 =	sadd.s32 $0x10, s24;
	s25 =	smov.u32 s26;
	s29 =	sadd.s32 $0x40, s26  }
0xcf: {  	p0 =	sne.s32 s26, $0x13840;
	v8 =	vld [tilespmem:s28+$0x0];
	_ =	sdelay $0x4  }
0xd0: {  	v9 =	vand.u32 $0x7FF, v8  }
0xd1: {  	(xrf1) =	vunique.msk.u32 $0xffff, v9;
	_ =	sdelay $0xb  }
0xd2: {  	v7 =	vld.idx.msk [tilespmem:v9+s14+$0x0], $0xffff;
	_ =	sdelay $0x1  }
0xd3: {  	_, v10, vm0 =	vpop (xrf1)  }
0xd4: {  	v10 =	vsub.s32 v10, v1;
	_ =	sdelay $0x2  }
0xd5: {  	v7 =	vadd.s32 v7, v10  }
0xd6: {  	v10 =	vadd.s32 $0x1, v7  }
0xd7: {  	[tilespmem:v9+s14+$0x0] =	vst.idx.msk vm0, v10  }
0xd8: {  	v10 =	vld.idx.msk [tilespmem:v9+s11+$0x0], $0xffff  }
0xd9: {  	v9 =	vld.idx.msk [tilespmem:v9+s15+$0x0], $0xffff;
	_ =	sdelay $0x4  }
.Ltmp8:
0xda: {  	v10 =	vadd.s32 v4, v10;
	(pc) =	sbr.rel @p0 .LBB2_19-.Ltmp8, $4  }
0xdb: {  	v9 =	vsub.s32 v10, v9  }
0xdc: {  	v9 =	vadd.s32 v7, v9  }
0xdd: {  	[tilespmem:v7+s16+$0x0] =	vst.idx.msk $0xffff, v9  }
0xde: {  	s26 =	smov.u32 s29;
	[tilespmem:v7+s17+$0x0] =	vst.idx.msk $0xffff, v8;
	v8 =	vor.u32 s24, v6  }
0xdf: {  	_ =	sdelay $0x3  }
0xe0: {  	s25 =	sshra.s32 s25, $0x2;
	[tilespmem:v7+s18+$0x0] =	vst.idx.msk $0xffff, v8  }
0xe1: {  	v7 =	vld [tilespmem:s25+$0x0];
	_ =	sdelay $0x4  }
0xe2: {  	v8 =	vand.u32 $0x7FF, v7  }
0xe3: {  	(xrf1) =	vunique.msk.u32 $0xffff, v8;
	_ =	sdelay $0xc  }
0xe4: {  	v9 =	vld.idx.msk [tilespmem:v8+s14+$0x0], $0xffff  }
0xe5: {  	_, v10, vm0 =	vpop (xrf1);
	_ =	sdelay $0x2  }
0xe6: {  	v10 =	vsub.s32 v10, v1  }
0xe7: {  	v9 =	vadd.s32 v9, v10  }
0xe8: {  	v10 =	vadd.s32 $0x1, v9  }
0xe9: {  	[tilespmem:v8+s14+$0x0] =	vst.idx.msk vm0, v10  }
0xea: {  	v10 =	vld.idx.msk [tilespmem:v8+s11+$0x0], $0xffff  }
0xeb: {  	v8 =	vld.idx.msk [tilespmem:v8+s15+$0x0], $0xffff;
	_ =	sdelay $0x3  }
0xec: {  	v10 =	vadd.s32 v4, v10  }
0xed: {  	v8 =	vsub.s32 v10, v8  }
0xee: {  	v8 =	vadd.s32 v9, v8  }
0xef: {  	s24 =	sadd.s32 $0x10, s24;
	[tilespmem:v9+s16+$0x0] =	vst.idx.msk $0xffff, v8  }
0xf0: {  	[tilespmem:v9+s17+$0x0] =	vst.idx.msk $0xffff, v7;
	v7 =	vor.u32 s24, v6  }
0xf1: {  	s24 =	simm.s32 $0x0;
	[tilespmem:v9+s18+$0x0] =	vst.idx.msk $0xffff, v7  }
0xf2: {  	v7 =	vld [tilespmem:s24+$0x19880]  }
.LBB2_21:
0xf3: {  	p0 =	sne.s32 s23, $0x1FC0;
	v8 =	vld [tilespmem:s24+$0x18880];
	_ =	sdelay $0x1  }
.Ltmp9:
0xf4: {  	(pc) =	sbr.rel @p0 .LBB2_21-.Ltmp9, $3  }
0xf5: {  	_ =	sdelay $0x1  }
0xf6: {  	s25 =	sshra.s32 s23, $0x2;
	v8 =	vadd.s32 v8, v7  }
0xf7: {  	s23 =	sadd.s32 $0x40, s23;
	v7 =	vld [tilespmem:s25+$0x19880];
	[tilespmem:s24+$0x18880] =	vst v8;
	s24 =	smov.u32 s25  }
0xf8: {  	v8 =	vld [tilespmem:s24+$0x18880];
	s22 =	sadd.s32 $0x1, s22  }
0xf9: {  	p0 =	sne.s32 s22, $0x32  }
.Ltmp10:
0xfa: {  	_ = 	snop;
	(pc) =	sbr.rel @p0 .LBB2_12-.Ltmp10, $3  }
0xfb: {  	_ =	sdelay $0x1  }
0xfc: {  	v7 =	vadd.s32 v8, v7  }
0xfd: {  	s21 =	sadd.s32 $0x4E20, s21;
	s23 =	simm.s32 $0x0;
	[tilespmem:s24+$0x18880] =	vst v7  }
0xfe: {  	s20 =	sshra.s32 s23, $0x2  }
0xff: {  	v7 =	vld [tilespmem:s20+$0x19080];
	_ =	sdelay $0x4  }
0x100: {  	(xrf0) =	vadd.scan.msk.s32 $0xffff, v7;
	_ =	sdelay $0x5  }
0x101: {  	v9, _, _ =	vpop (xrf0)  }
0x102: {  	v8 =	vmul.u32 v3, v7;
	(v2sf) =	vpush v9, $0xF  }
0x103: {  	v7 =	vsub.s32 s23, v7  }
0x104: {  	v7 =	vadd.s32 v8, v7  }
0x105: {  	s21 =	sadd.s32 $0x40, s23;
	v7 =	vadd.s32 v9, v7  }
0x106: {  	[tilespmem:s20+$0x19080] =	vst v7;
	s20 =	sshra.s32 s21, $0x2;
	s21 =	sadd.s32 $0x40, s21  }
.LBB2_24:
0x107: {  	p0 =	sne.s32 s21, $0x1FC0;
	v7 =	vld [tilespmem:s20+$0x19080];
	_ =	sdelay $0x4  }
0x108: {  	v8 =	vmul.u32 v3, v7;
	(xrf0) =	vadd.scan.msk.s32 $0xffff, v7;
	_ =	sdelay $0x4  }
0x109: {  	s22 =	spop (v2sf)  }
0x10a: {  	v9, _, _ =	vpop (xrf0);
	s23 =	sadd.s32 s23, s22  }
.Ltmp11:
0x10b: {  	v7 =	vsub.s32 s23, v7;
	(v2sf) =	vpush v9, $0xF;
	(pc) =	sbr.rel @p0 .LBB2_24-.Ltmp11, $4  }
0x10c: {  	v7 =	vadd.s32 v8, v7  }
0x10d: {  	v7 =	vadd.s32 v9, v7  }
0x10e: {  	[tilespmem:s20+$0x19080] =	vst v7  }
0x10f: {  	s20 =	sshra.s32 s21, $0x2;
	s21 =	sadd.s32 $0x40, s21  }
0x110: {  	v7 =	vld [tilespmem:s20+$0x19080];
	_ =	sdelay $0x4  }
0x111: {  	(xrf0) =	vadd.scan.msk.s32 $0xffff, v7;
	_ =	sdelay $0x5  }
0x112: {  	v8, _, _ =	vpop (xrf0)  }
0x113: {  	(v2sf) =	vpush v8, $0xF;
	_ =	sdelay $0x9  }
0x114: {  	s21 =	spop (v2sf)  }
0x115: {  	v9 =	vmul.u32 v3, v7;
	s21 =	sadd.s32 s23, s21  }
0x116: {  	v7 =	vsub.s32 s21, v7  }
0x117: {  	v7 =	vadd.s32 v9, v7  }
0x118: {  	v7 =	vadd.s32 v8, v7  }
0x119: {  	s21 =	simm.s32 $0x0;
	[tilespmem:s20+$0x19080] =	vst v7;
	s20 =	simm.s32 $0x40;
	s31 =	spop (v2sf)  }
.LBB2_26:
0x11a: {  	p0 =	sne.s32 s20, $0x1FC0;
	[tilespmem:s21+$0x18880] =	vst v0;
	s21 =	smov.u32 s20;
	s20 =	sadd.s32 $0x40, s20  }
.Ltmp12:
0x11b: {  	(pc) =	sbr.rel @p0 .LBB2_26-.Ltmp12, $2  }
0x11c: {  	_ =	sdelay $0x2  }
0x11d: {  	s21 =	sshra.s32 s21, $0x2  }
0x11e: {  	[tilespmem:s21+$0x18880] =	vst v0;
	s20 =	simm.s32 $0x0;
	s21 =	simm.s32 $0x0  }
.LBB2_28:
0x11f: {  	s22 =	smul.u32 $0x4E20, s21;
	_ =	sdelay $0x1  }
0x120: {  	s22 =	sadd.s32 s8, s22  }
0x121: {  	s22 =	sshrl.u32 s22, $0x3  }
0x122: {  	s23 =	sadd.s32 s4, s22  }
0x123: {  	[tilespmem:s20], [sflag:$0x1] =	stream.linear.gather [hbm4b:s23+s20], $0x4E20, $0x38;
	[tilespmem:$0x1B080] =	vst v63  }
0x124: {  	_ =	swait.ge [sflag:s10], $0x4E20  }
0x125: {  	[sflag:s10] =	ssyncset.done $0x0  }
0x126: {  	s22 =	sadd.s32 s5, s22;
	[sflag:s10] =	ssyncadd.s32 $0xFFFFB1E0  }
0x127: {  	[tilespmem:s19], [sflag:$0x1] =	stream.linear.gather [hbm4b:s22+s20], $0x4E20, $0x38;
	[tilespmem:$0x1B080] =	vst v63  }
0x128: {  	_ =	swait.ge [sflag:s10], $0x4E20  }
0x129: {  	[sflag:s10] =	ssyncset.done $0x0  }
0x12a: {  	s23 =	simm.s32 $0x0;
	s22 =	simm.s32 $0x40;
	[sflag:s10] =	ssyncadd.s32 $0xFFFFB1E0  }
.LBB2_29:
0x12b: {  	p0 =	sne.s32 s22, $0x1FC0;
	[tilespmem:s23+$0x19880] =	vst v0;
	s23 =	smov.u32 s22;
	s22 =	sadd.s32 $0x40, s22  }
.Ltmp13:
0x12c: {  	(pc) =	sbr.rel @p0 .LBB2_29-.Ltmp13, $2  }
0x12d: {  	_ =	sdelay $0x2  }
0x12e: {  	s23 =	sshra.s32 s23, $0x2  }
0x12f: {  	[tilespmem:s23+$0x19880] =	vst v0;
	s22 =	simm.s32 $0x0  }
0x130: {  	v7 =	vld [tilespmem:s22+$0x0];
	_ =	sdelay $0x4  }
0x131: {  	v8 =	vshrl.u32 v7, $0xB  }
0x132: {  	v8 =	vand.u32 $0x7FF, v8  }
0x133: {  	(xrf1) =	vunique.msk.u32 $0xffff, v8;
	_ =	sdelay $0x6  }
0x134: {  	v7 =	vshrl.u32 v7, $0x16  }
0x135: {  	(xrf1) =	vunique.msk.u32 $0xffff, v7;
	_ =	sdelay $0x3  }
0x136: {  	v9 =	vld.idx.msk [tilespmem:v8+s12+$0x0], $0xffff;
	_ =	sdelay $0x1  }
0x137: {  	_, v10, vm0 =	vpop (xrf1);
	_ =	sdelay $0x2  }
0x138: {  	v9 =	vadd.s32 v9, v2  }
0x139: {  	v9 =	vadd.s32 v10, v9;
	_ =	sdelay $0x1  }
0x13a: {  	[tilespmem:v8+s12+$0x0] =	vst.idx.msk vm0, v9  }
0x13b: {  	v8 =	vld.idx.msk [tilespmem:v7+s11+$0x0], $0xffff  }
0x13c: {  	_, v9, vm0 =	vpop (xrf1);
	_ =	sdelay $0x2  }
0x13d: {  	v9 =	vadd.s32 v9, v2  }
0x13e: {  	s23 =	simm.s32 $0x40;
	s24 =	simm.s32 $0x80;
	s22 =	simm.s32 $0x0;
	v8 =	vadd.s32 v8, v9  }
.LBB2_31:
0x13f: {  	p0 =	sne.s32 s24, $0x13840  }
0x140: {  	s25 =	sshra.s32 s23, $0x2;
	[tilespmem:v7+s11+$0x0] =	vst.idx.msk vm0, v8;
	s23 =	smov.u32 s24;
	s24 =	sadd.s32 $0x40, s24  }
0x141: {  	v7 =	vld [tilespmem:s25+$0x0];
	_ =	sdelay $0x4  }
0x142: {  	v8 =	vshrl.u32 v7, $0xB  }
0x143: {  	v8 =	vand.u32 $0x7FF, v8  }
0x144: {  	(xrf1) =	vunique.msk.u32 $0xffff, v8;
	_ =	sdelay $0x6  }
0x145: {  	v7 =	vshrl.u32 v7, $0x16  }
0x146: {  	(xrf1) =	vunique.msk.u32 $0xffff, v7;
	_ =	sdelay $0x3  }
0x147: {  	v9 =	vld.idx.msk [tilespmem:v8+s12+$0x0], $0xffff;
	_ =	sdelay $0x1  }
0x148: {  	_, v10, vm0 =	vpop (xrf1);
	_ =	sdelay $0x3  }
0x149: {  	v9 =	vadd.s32 v9, v2  }
0x14a: {  	v10 =	vadd.s32 v10, v9  }
0x14b: {  	[tilespmem:v8+s12+$0x0] =	vst.idx.msk vm0, v10  }
0x14c: {  	v8 =	vld.idx.msk [tilespmem:v7+s11+$0x0], $0xffff  }
0x14d: {  	_, v9, vm0 =	vpop (xrf1)  }
.Ltmp14:
0x14e: {  	(pc) =	sbr.rel @p0 .LBB2_31-.Ltmp14, $3  }
0x14f: {  	_ =	sdelay $0x1  }
0x150: {  	v9 =	vadd.s32 v9, v2  }
0x151: {  	v8 =	vadd.s32 v8, v9  }
0x152: {  	_ =	sdelay $0x4  }
0x153: {  	s23 =	sshra.s32 s23, $0x2;
	[tilespmem:v7+s11+$0x0] =	vst.idx.msk vm0, v8  }
0x154: {  	v7 =	vld [tilespmem:s23+$0x0];
	_ =	sdelay $0x4  }
0x155: {  	v8 =	vshrl.u32 v7, $0xB  }
0x156: {  	v8 =	vand.u32 $0x7FF, v8  }
0x157: {  	(xrf1) =	vunique.msk.u32 $0xffff, v8;
	_ =	sdelay $0x5  }
0x158: {  	v7 =	vshrl.u32 v7, $0x16  }
0x159: {  	(xrf1) =	vunique.msk.u32 $0xffff, v7;
	_ =	sdelay $0x3  }
0x15a: {  	v9 =	vld.idx.msk [tilespmem:v8+s12+$0x0], $0xffff;
	_ =	sdelay $0x2  }
0x15b: {  	_, v10, vm15 =	vpop (xrf1);
	_ =	sdelay $0x1  }
0x15c: {  	v9 =	vadd.s32 v9, v2  }
0x15d: {  	v9 =	vadd.s32 v10, v9;
	_ =	sdelay $0x2  }
0x15e: {  	[tilespmem:v8+s12+$0x0] =	vst.idx.msk vm15, v9  }
0x15f: {  	_, v9, vm0 =	vpop (xrf1);
	v8 =	vld.idx.msk [tilespmem:v7+s11+$0x0], $0xffff;
	_ =	sdelay $0x3  }
0x160: {  	v9 =	vadd.s32 v9, v2  }
0x161: {  	v8 =	vadd.s32 v8, v9  }
0x162: {  	s26 =	simm.s32 $0x0;
	[tilespmem:v7+s11+$0x0] =	vst.idx.msk vm0, v8  }
0x163: {  	s23 =	simm.s32 $0x10;
	v12 =	vld [tilespmem:s26+$0x19880]  }
0x164: {  	v8 =	vld [tilespmem:s23+$0x19880];
	_ =	sdelay $0x3  }
0x165: {  	(xrf0) =	vadd.scan.msk.s32 $0xffff, v12  }
0x166: {  	(xrf0) =	vadd.scan.msk.s32 $0xffff, v8;
	_ =	sdelay $0x3  }
0x167: {  	s24 =	simm.s32 $0x20  }
0x168: {  	v7 =	vld [tilespmem:s24+$0x19880];
	v14, _, _ =	vpop (xrf0)  }
0x169: {  	(v2sf) =	vpush v14, $0xF;
	v10, _, _ =	vpop (xrf0)  }
0x16a: {  	(v2sf) =	vpush v10, $0xF;
	_ =	sdelay $0x2  }
0x16b: {  	s25 =	simm.s32 $0x30;
	(xrf0) =	vadd.scan.msk.s32 $0xffff, v7  }
0x16c: {  	v11 =	vld [tilespmem:s25+$0x19880];
	_ =	sdelay $0x3  }
0x16d: {  	s28 =	simm.s32 $0x100;
	v15 =	vmul.u32 v3, v12;
	v13 =	vmul.u32 v3, v8;
	v9 =	vmul.u32 v3, v7  }
.LBB2_33:
0x16e: {  	p0 =	sne.s32 s28, $0x1FC0;
	v16 =	vmul.u32 v3, v11;
	v17, _, _ =	vpop (xrf0)  }
0x16f: {  	(xrf0) =	vadd.scan.msk.s32 $0xffff, v11;
	v18 =	vsub.s32 s22, v12;
	v12 =	vmovc v8;
	v8 =	vmov v7;
	v7 =	vmov v11;
	s29 =	smov.u32 s25;
	s25 =	sshra.s32 s28, $0x2;
	s28 =	sadd.s32 $0x40, s28  }
.Ltmp15:
0x170: {  	v11 =	vld [tilespmem:s25+$0x19880];
	(v2sf) =	vpush v17, $0xF;
	v18 =	vadd.s32 v15, v18;
	v15 =	vmovc v13;
	v13 =	vmov v9;
	(pc) =	sbr.rel @p0 .LBB2_33-.Ltmp15, $4  }
0x171: {  	v18 =	vadd.s32 v14, v18;
	v9 =	vmovc v16;
	v14 =	vmov v10;
	v10 =	vmov v17  }
0x172: {  	[tilespmem:s26+$0x1A080] =	vst v18  }
0x173: {  	[tilespmem:s26+$0x1A880] =	vst v18;
	s30 =	spop (v2sf);
	s26 =	smov.u32 s23;
	s23 =	smov.u32 s24  }
0x174: {  	s24 =	smov.u32 s29;
	s22 =	sadd.s32 s22, s30  }
0x175: {  	v16, _, _ =	vpop (xrf0)  }
0x176: {  	(v2sf) =	vpush v16, $0xF;
	_ =	sdelay $0xa  }
0x177: {  	v12 =	vsub.s32 s22, v12;
	s28 =	spop (v2sf)  }
0x178: {  	(xrf0) =	vadd.scan.msk.s32 $0xffff, v11;
	v12 =	vadd.s32 v15, v12;
	s30 =	sadd.s32 s22, s28  }
0x179: {  	v12 =	vadd.s32 v14, v12;
	v8 =	vsub.s32 s30, v8;
	s31 =	spop (v2sf)  }
0x17a: {  	[tilespmem:s26+$0x1A080] =	vst v12;
	v8 =	vadd.s32 v13, v8;
	s22 =	sadd.s32 s30, s31  }
0x17b: {  	[tilespmem:s26+$0x1A880] =	vst v12;
	v8 =	vadd.s32 v10, v8;
	v7 =	vsub.s32 s22, v7;
	s29 =	spop (v2sf)  }
0x17c: {  	v10 =	vmul.u32 v3, v11;
	[tilespmem:s23+$0x1A080] =	vst v8;
	v7 =	vadd.s32 v9, v7;
	s22 =	sadd.s32 s22, s29  }
0x17d: {  	[tilespmem:s23+$0x1A880] =	vst v8;
	v7 =	vadd.s32 v16, v7;
	v8 =	vsub.s32 s22, v11  }
0x17e: {  	v9, _, _ =	vpop (xrf0);
	[tilespmem:s24+$0x1A080] =	vst v7;
	v8 =	vadd.s32 v10, v8  }
0x17f: {  	[tilespmem:s24+$0x1A880] =	vst v7;
	v7 =	vadd.s32 v9, v8  }
0x180: {  	[tilespmem:s25+$0x1A080] =	vst v7  }
0x181: {  	s30 =	simm.s32 $0x0;
	[tilespmem:s25+$0x1A880] =	vst v7  }
0x182: {  	v8 =	vld [tilespmem:s30+$0x0];
	_ =	sdelay $0x4  }
0x183: {  	v7 =	vshrl.u32 v8, $0xB  }
0x184: {  	v10 =	vand.u32 $0x7FF, v7  }
0x185: {  	(xrf1) =	vunique.msk.u32 $0xffff, v10;
	_ =	sdelay $0xc  }
0x186: {  	v7 =	vld.idx.msk [tilespmem:v10+s14+$0x0], $0xffff  }
0x187: {  	_, v11, vm0 =	vpop (xrf1);
	_ =	sdelay $0x1  }
0x188: {  	(v2sf) =	vpush v9, $0xF  }
0x189: {  	v9 =	vsub.s32 v11, v1  }
0x18a: {  	v7 =	vadd.s32 v7, v9  }
0x18b: {  	v9 =	vadd.s32 $0x1, v7  }
0x18c: {  	[tilespmem:v10+s14+$0x0] =	vst.idx.msk vm0, v9  }
0x18d: {  	v9 =	vld.idx.msk [tilespmem:v10+s13+$0x0], $0xffff  }
0x18e: {  	v10 =	vld.idx.msk [tilespmem:v10+s15+$0x0], $0xffff;
	_ =	sdelay $0x3  }
0x18f: {  	v9 =	vadd.s32 v4, v9  }
0x190: {  	v9 =	vsub.s32 v9, v10  }
0x191: {  	v9 =	vadd.s32 v7, v9  }
0x192: {  	[tilespmem:v7+s16+$0x0] =	vst.idx.msk $0xffff, v9  }
0x193: {  	s23 =	simm.s32 $0x80;
	[tilespmem:v7+s17+$0x0] =	vst.idx.msk $0xffff, v8  }
0x194: {  	s24 =	simm.s32 $0x40;
	s22 =	simm.s32 $0x40;
	s31 =	spop (v2sf);
	v8 =	vld [tilespmem:s30+$0x4E80]  }
.LBB2_35:
0x195: {  	_ =	sdelay $0x2  }
0x196: {  	p0 =	sne.s32 s23, $0x13840  }
0x197: {  	s25 =	sshra.s32 s24, $0x2;
	s24 =	smov.u32 s23;
	s23 =	sadd.s32 $0x40, s23;
	[tilespmem:v7+s18+$0x0] =	vst.idx.msk $0xffff, v8  }
0x198: {  	v8 =	vld [tilespmem:s25+$0x0];
	_ =	sdelay $0x4  }
0x199: {  	v7 =	vshrl.u32 v8, $0xB  }
0x19a: {  	v9 =	vand.u32 $0x7FF, v7  }
0x19b: {  	(xrf1) =	vunique.msk.u32 $0xffff, v9;
	_ =	sdelay $0xb  }
0x19c: {  	v7 =	vld.idx.msk [tilespmem:v9+s14+$0x0], $0xffff;
	_ =	sdelay $0x1  }
0x19d: {  	_, v10, vm0 =	vpop (xrf1)  }
0x19e: {  	v10 =	vsub.s32 v10, v1;
	_ =	sdelay $0x2  }
0x19f: {  	v7 =	vadd.s32 v7, v10  }
0x1a0: {  	v10 =	vadd.s32 $0x1, v7  }
0x1a1: {  	[tilespmem:v9+s14+$0x0] =	vst.idx.msk vm0, v10  }
0x1a2: {  	v10 =	vld.idx.msk [tilespmem:v9+s13+$0x0], $0xffff  }
0x1a3: {  	v9 =	vld.idx.msk [tilespmem:v9+s15+$0x0], $0xffff;
	_ =	sdelay $0x4  }
0x1a4: {  	v10 =	vadd.s32 v4, v10  }
.Ltmp16:
0x1a5: {  	v9 =	vsub.s32 v10, v9;
	(pc) =	sbr.rel @p0 .LBB2_35-.Ltmp16, $4  }
0x1a6: {  	v9 =	vadd.s32 v7, v9  }
0x1a7: {  	[tilespmem:v7+s16+$0x0] =	vst.idx.msk $0xffff, v9  }
0x1a8: {  	[tilespmem:v7+s17+$0x0] =	vst.idx.msk $0xffff, v8  }
0x1a9: {  	v8 =	vld [tilespmem:s25+$0x4E80]  }
0x1aa: {  	_ =	sdelay $0x3  }
0x1ab: {  	s23 =	sshra.s32 s24, $0x2;
	[tilespmem:v7+s18+$0x0] =	vst.idx.msk $0xffff, v8  }
0x1ac: {  	v7 =	vld [tilespmem:s23+$0x0];
	_ =	sdelay $0x4  }
0x1ad: {  	v8 =	vshrl.u32 v7, $0xB  }
0x1ae: {  	v8 =	vand.u32 $0x7FF, v8  }
0x1af: {  	(xrf1) =	vunique.msk.u32 $0xffff, v8;
	_ =	sdelay $0xc  }
0x1b0: {  	v9 =	vld.idx.msk [tilespmem:v8+s14+$0x0], $0xffff  }
0x1b1: {  	_, v10, vm0 =	vpop (xrf1);
	_ =	sdelay $0x2  }
0x1b2: {  	v10 =	vsub.s32 v10, v1  }
0x1b3: {  	v9 =	vadd.s32 v9, v10  }
0x1b4: {  	v10 =	vadd.s32 $0x1, v9  }
0x1b5: {  	[tilespmem:v8+s14+$0x0] =	vst.idx.msk vm0, v10  }
0x1b6: {  	v10 =	vld.idx.msk [tilespmem:v8+s13+$0x0], $0xffff  }
0x1b7: {  	v8 =	vld.idx.msk [tilespmem:v8+s15+$0x0], $0xffff;
	_ =	sdelay $0x3  }
0x1b8: {  	v10 =	vadd.s32 v4, v10  }
0x1b9: {  	v8 =	vsub.s32 v10, v8  }
0x1ba: {  	v8 =	vadd.s32 v9, v8  }
0x1bb: {  	[tilespmem:v9+s16+$0x0] =	vst.idx.msk $0xffff, v8  }
0x1bc: {  	[tilespmem:v9+s17+$0x0] =	vst.idx.msk $0xffff, v7  }
0x1bd: {  	v7 =	vld [tilespmem:s23+$0x4E80];
	_ =	sdelay $0x4  }
0x1be: {  	s23 =	simm.s32 $0x0;
	[tilespmem:v9+s18+$0x0] =	vst.idx.msk $0xffff, v7  }
0x1bf: {  	v7 =	vld [tilespmem:s23+$0x19880]  }
.LBB2_37:
0x1c0: {  	p0 =	sne.s32 s22, $0x1FC0;
	v8 =	vld [tilespmem:s23+$0x19080];
	_ =	sdelay $0x1  }
.Ltmp17:
0x1c1: {  	(pc) =	sbr.rel @p0 .LBB2_37-.Ltmp17, $3  }
0x1c2: {  	_ =	sdelay $0x1  }
0x1c3: {  	s24 =	sshra.s32 s22, $0x2;
	v8 =	vadd.s32 v8, v7  }
0x1c4: {  	s22 =	sadd.s32 $0x40, s22;
	v7 =	vld [tilespmem:s24+$0x19880];
	[tilespmem:s23+$0x19080] =	vst v8;
	s23 =	smov.u32 s24  }
0x1c5: {  	v8 =	vld [tilespmem:s23+$0x19080];
	s21 =	sadd.s32 $0x1, s21  }
0x1c6: {  	p0 =	sne.s32 s21, $0x32  }
.Ltmp18:
0x1c7: {  	_ = 	snop;
	(pc) =	sbr.rel @p0 .LBB2_28-.Ltmp18, $3  }
0x1c8: {  	_ =	sdelay $0x1  }
0x1c9: {  	v7 =	vadd.s32 v8, v7  }
0x1ca: {  	s22 =	simm.s32 $0x0;
	[tilespmem:s23+$0x19080] =	vst v7  }
0x1cb: {  	s20 =	sshra.s32 s22, $0x2  }
0x1cc: {  	v7 =	vld [tilespmem:s20+$0x18880];
	_ =	sdelay $0x4  }
0x1cd: {  	(xrf0) =	vadd.scan.msk.s32 $0xffff, v7;
	_ =	sdelay $0x5  }
0x1ce: {  	v9, _, _ =	vpop (xrf0)  }
0x1cf: {  	v8 =	vmul.u32 v3, v7;
	(v2sf) =	vpush v9, $0xF  }
0x1d0: {  	v7 =	vsub.s32 s22, v7  }
0x1d1: {  	v7 =	vadd.s32 v8, v7  }
0x1d2: {  	s21 =	sadd.s32 $0x40, s22;
	v7 =	vadd.s32 v9, v7  }
0x1d3: {  	s23 =	sadd.s32 $0x40, s21;
	[tilespmem:s20+$0x18880] =	vst v7;
	s20 =	sshra.s32 s21, $0x2;
	s21 =	simm.s32 $0x0  }
.LBB2_40:
0x1d4: {  	p0 =	sne.s32 s23, $0x1FC0;
	v7 =	vld [tilespmem:s20+$0x18880];
	_ =	sdelay $0x4  }
0x1d5: {  	v8 =	vmul.u32 v3, v7;
	(xrf0) =	vadd.scan.msk.s32 $0xffff, v7;
	_ =	sdelay $0x4  }
0x1d6: {  	s24 =	spop (v2sf)  }
0x1d7: {  	v9, _, _ =	vpop (xrf0);
	s21 =	sadd.s32 s21, s24  }
.Ltmp19:
0x1d8: {  	v7 =	vsub.s32 s21, v7;
	(v2sf) =	vpush v9, $0xF;
	(pc) =	sbr.rel @p0 .LBB2_40-.Ltmp19, $4  }
0x1d9: {  	v7 =	vadd.s32 v8, v7  }
0x1da: {  	v7 =	vadd.s32 v9, v7  }
0x1db: {  	[tilespmem:s20+$0x18880] =	vst v7  }
0x1dc: {  	s20 =	sshra.s32 s23, $0x2;
	s23 =	sadd.s32 $0x40, s23  }
0x1dd: {  	v7 =	vld [tilespmem:s20+$0x18880];
	_ =	sdelay $0x4  }
0x1de: {  	(xrf0) =	vadd.scan.msk.s32 $0xffff, v7;
	_ =	sdelay $0x5  }
0x1df: {  	v8, _, _ =	vpop (xrf0)  }
0x1e0: {  	(v2sf) =	vpush v8, $0xF;
	_ =	sdelay $0x9  }
0x1e1: {  	s23 =	spop (v2sf)  }
0x1e2: {  	v9 =	vmul.u32 v3, v7;
	s21 =	sadd.s32 s21, s23  }
0x1e3: {  	v7 =	vsub.s32 s21, v7  }
0x1e4: {  	v7 =	vadd.s32 v9, v7  }
0x1e5: {  	v7 =	vadd.s32 v8, v7  }
0x1e6: {  	[tilespmem:s20+$0x18880] =	vst v7;
	s31 =	spop (v2sf)  }
.LBB2_42:
0x1e7: {  	s20 =	smul.u32 $0x4E20, s22;
	_ =	sdelay $0x1  }
0x1e8: {  	s20 =	sadd.s32 s8, s20  }
0x1e9: {  	s20 =	sshrl.u32 s20, $0x3  }
0x1ea: {  	s23 =	simm.s32 $0x0;
	s21 =	sadd.s32 s6, s20  }
0x1eb: {  	[tilespmem:s23], [sflag:$0x1] =	stream.linear.gather [hbm4b:s21+s23], $0x4E20, $0x38;
	[tilespmem:$0x1B080] =	vst v63  }
0x1ec: {  	_ =	swait.ge [sflag:s10], $0x4E20  }
0x1ed: {  	[sflag:s10] =	ssyncset.done $0x0  }
0x1ee: {  	s20 =	sadd.s32 s7, s20;
	[sflag:s10] =	ssyncadd.s32 $0xFFFFB1E0  }
0x1ef: {  	[tilespmem:s19], [sflag:$0x1] =	stream.linear.gather [hbm4b:s20+s23], $0x4E20, $0x38;
	[tilespmem:$0x1B080] =	vst v63  }
0x1f0: {  	_ =	swait.ge [sflag:s10], $0x4E20  }
0x1f1: {  	[sflag:s10] =	ssyncset.done $0x0  }
0x1f2: {  	s21 =	simm.s32 $0x0;
	s20 =	simm.s32 $0x40;
	[sflag:s10] =	ssyncadd.s32 $0xFFFFB1E0  }
.LBB2_43:
0x1f3: {  	p0 =	sne.s32 s20, $0x1FC0;
	[tilespmem:s21+$0x19880] =	vst v0;
	s21 =	smov.u32 s20;
	s20 =	sadd.s32 $0x40, s20  }
.Ltmp20:
0x1f4: {  	(pc) =	sbr.rel @p0 .LBB2_43-.Ltmp20, $2  }
0x1f5: {  	_ =	sdelay $0x2  }
0x1f6: {  	s21 =	sshra.s32 s21, $0x2  }
0x1f7: {  	[tilespmem:s21+$0x19880] =	vst v0;
	s21 =	simm.s32 $0x0;
	s20 =	simm.s32 $0x40  }
.LBB2_45:
0x1f8: {  	p0 =	sne.s32 s20, $0x13840;
	v7 =	vld [tilespmem:s21+$0x0];
	_ =	sdelay $0x4  }
0x1f9: {  	v7 =	vshrl.u32 v7, $0x16  }
0x1fa: {  	(xrf1) =	vunique.msk.u32 $0xffff, v7;
	_ =	sdelay $0xb  }
0x1fb: {  	v8 =	vld.idx.msk [tilespmem:v7+s12+$0x0], $0xffff;
	_ =	sdelay $0x1  }
0x1fc: {  	_, v9, vm0 =	vpop (xrf1);
	_ =	sdelay $0x1  }
.Ltmp21:
0x1fd: {  	(pc) =	sbr.rel @p0 .LBB2_45-.Ltmp21, $4  }
0x1fe: {  	_ = 	snop  }
0x1ff: {  	v8 =	vadd.s32 v8, v2  }
0x200: {  	v8 =	vadd.s32 v9, v8  }
0x201: {  	s21 =	sshra.s32 s20, $0x2;
	s20 =	sadd.s32 $0x40, s20;
	[tilespmem:v7+s12+$0x0] =	vst.idx.msk vm0, v8  }
0x202: {  	v7 =	vld [tilespmem:s21+$0x0];
	_ =	sdelay $0x4  }
0x203: {  	v7 =	vshrl.u32 v7, $0x16  }
0x204: {  	(xrf1) =	vunique.msk.u32 $0xffff, v7;
	_ =	sdelay $0xc  }
0x205: {  	v8 =	vld.idx.msk [tilespmem:v7+s12+$0x0], $0xffff  }
0x206: {  	_, v9, vm0 =	vpop (xrf1);
	_ =	sdelay $0x3  }
0x207: {  	v8 =	vadd.s32 v8, v2  }
0x208: {  	v8 =	vadd.s32 v9, v8  }
0x209: {  	s25 =	simm.s32 $0x0;
	[tilespmem:v7+s12+$0x0] =	vst.idx.msk vm0, v8  }
0x20a: {  	s21 =	simm.s32 $0x10;
	v10 =	vld [tilespmem:s25+$0x19880]  }
0x20b: {  	v8 =	vld [tilespmem:s21+$0x19880];
	_ =	sdelay $0x3  }
0x20c: {  	(xrf0) =	vadd.scan.msk.s32 $0xffff, v10  }
0x20d: {  	(xrf0) =	vadd.scan.msk.s32 $0xffff, v8;
	_ =	sdelay $0x3  }
0x20e: {  	s23 =	simm.s32 $0x20  }
0x20f: {  	v7 =	vld [tilespmem:s23+$0x19880];
	v14, _, _ =	vpop (xrf0)  }
0x210: {  	(v2sf) =	vpush v14, $0xF;
	v11, _, _ =	vpop (xrf0)  }
0x211: {  	(v2sf) =	vpush v11, $0xF;
	_ =	sdelay $0x2  }
0x212: {  	s24 =	simm.s32 $0x30;
	(xrf0) =	vadd.scan.msk.s32 $0xffff, v7  }
0x213: {  	v9 =	vld [tilespmem:s24+$0x19880];
	_ =	sdelay $0x3  }
0x214: {  	s20 =	simm.s32 $0x0;
	s28 =	simm.s32 $0x100;
	s26 =	simm.s32 $0x0;
	v15 =	vmul.u32 v3, v10;
	v13 =	vmul.u32 v3, v8;
	v12 =	vmul.u32 v3, v7  }
.LBB2_47:
0x215: {  	v16 =	vmul.u32 v3, v9;
	v17, _, _ =	vpop (xrf0)  }
0x216: {  	s29 =	sshra.s32 s28, $0x2;
	p0 =	sne.s32 s28, $0x1FC0;
	s28 =	sadd.s32 $0x40, s28;
	(xrf0) =	vadd.scan.msk.s32 $0xffff, v9;
	v18 =	vsub.s32 s26, v10;
	v10 =	vmovc v8;
	v8 =	vmov v7;
	v7 =	vmov v9  }
.Ltmp22:
0x217: {  	v9 =	vld [tilespmem:s29+$0x19880];
	(v2sf) =	vpush v17, $0xF;
	v18 =	vadd.s32 v15, v18;
	v15 =	vmovc v13;
	v13 =	vmov v12;
	(pc) =	sbr.rel @p0 .LBB2_47-.Ltmp22, $4  }
0x218: {  	v18 =	vadd.s32 v14, v18;
	v12 =	vmovc v16;
	v14 =	vmov v11;
	v11 =	vmov v17  }
0x219: {  	[tilespmem:s25+$0x1A080] =	vst v18  }
0x21a: {  	[tilespmem:s25+$0x1A880] =	vst v18;
	s30 =	spop (v2sf);
	s25 =	smov.u32 s21;
	s21 =	smov.u32 s23  }
0x21b: {  	s23 =	smov.u32 s24;
	s24 =	smov.u32 s29;
	s26 =	sadd.s32 s26, s30  }
0x21c: {  	(xrf0) =	vadd.scan.msk.s32 $0xffff, v9;
	v16, _, _ =	vpop (xrf0)  }
0x21d: {  	(v2sf) =	vpush v16, $0xF;
	_ =	sdelay $0x4  }
0x21e: {  	v17, _, _ =	vpop (xrf0)  }
0x21f: {  	(v2sf) =	vpush v17, $0xF;
	_ =	sdelay $0x4  }
0x220: {  	s28 =	spop (v2sf);
	v10 =	vsub.s32 s26, v10  }
0x221: {  	v10 =	vadd.s32 v15, v10;
	s31 =	sadd.s32 s26, s28  }
0x222: {  	v10 =	vadd.s32 v14, v10;
	v8 =	vsub.s32 s31, v8;
	s29 =	spop (v2sf)  }
0x223: {  	[tilespmem:s25+$0x1A080] =	vst v10;
	v8 =	vadd.s32 v13, v8;
	s26 =	sadd.s32 s31, s29  }
0x224: {  	[tilespmem:s25+$0x1A880] =	vst v10;
	v8 =	vadd.s32 v11, v8;
	v7 =	vsub.s32 s26, v7;
	s30 =	spop (v2sf)  }
0x225: {  	v63 =	vmul.u32 v3, v9;
	[tilespmem:s21+$0x1A080] =	vst v8;
	v7 =	vadd.s32 v12, v7;
	s25 =	sadd.s32 s26, s30  }
0x226: {  	[tilespmem:s21+$0x1A880] =	vst v8;
	v7 =	vadd.s32 v16, v7;
	v8 =	vsub.s32 s25, v9  }
0x227: {  	[tilespmem:s23+$0x1A080] =	vst v7;
	v8 =	vadd.s32 v63, v8  }
0x228: {  	[tilespmem:s23+$0x1A880] =	vst v7;
	v7 =	vadd.s32 v17, v8  }
0x229: {  	[tilespmem:s24+$0x1A080] =	vst v7  }
0x22a: {  	[tilespmem:s24+$0x1A880] =	vst v7;
	s31 =	spop (v2sf)  }
.LBB2_49:
0x22b: {  	s21 =	sshra.s32 s20, $0x2  }
0x22c: {  	v7 =	vld [tilespmem:s21+$0x0];
	_ =	sdelay $0x4  }
0x22d: {  	v8 =	vshrl.u32 v7, $0x16  }
0x22e: {  	(xrf1) =	vunique.msk.u32 $0xffff, v8;
	_ =	sdelay $0xc  }
0x22f: {  	v9 =	vld.idx.msk [tilespmem:v8+s14+$0x0], $0xffff  }
0x230: {  	_, v10, vm0 =	vpop (xrf1);
	_ =	sdelay $0x2  }
0x231: {  	v10 =	vsub.s32 v10, v1  }
0x232: {  	v9 =	vadd.s32 v9, v10  }
0x233: {  	v10 =	vadd.s32 $0x1, v9  }
0x234: {  	[tilespmem:v8+s14+$0x0] =	vst.idx.msk vm0, v10  }
0x235: {  	v10 =	vld.idx.msk [tilespmem:v8+s11+$0x0], $0xffff  }
0x236: {  	v8 =	vld.idx.msk [tilespmem:v8+s15+$0x0], $0xffff;
	_ =	sdelay $0x3  }
0x237: {  	v10 =	vadd.s32 v5, v10  }
0x238: {  	v8 =	vsub.s32 v10, v8  }
0x239: {  	v8 =	vadd.s32 v9, v8  }
0x23a: {  	v7 =	vxor.u32 $0xFFFFFFFF, v7;
	[tilespmem:v9+s16+$0x0] =	vst.idx.msk $0xffff, v8  }
0x23b: {  	[tilespmem:v9+s17+$0x0] =	vst.idx.msk $0xffff, v7  }
0x23c: {  	p0 =	sne.s32 s20, $0x13840;
	v7 =	vld [tilespmem:s21+$0x4E80]  }
.Ltmp23:
0x23d: {  	_ = 	snop;
	(pc) =	sbr.rel @p0 .LBB2_49-.Ltmp23, $2  }
0x23e: {  	_ =	sdelay $0x2  }
0x23f: {  	s20 =	sadd.s32 $0x40, s20;
	[tilespmem:v9+s18+$0x0] =	vst.idx.msk $0xffff, v7  }
0x240: {  	s20 =	simm.s32 $0x0  }
0x241: {  	s21 =	simm.s32 $0x40;
	v7 =	vld [tilespmem:s20+$0x19880]  }
.LBB2_51:
0x242: {  	p0 =	sne.s32 s21, $0x1FC0;
	v8 =	vld [tilespmem:s20+$0x18880];
	_ =	sdelay $0x1  }
.Ltmp24:
0x243: {  	(pc) =	sbr.rel @p0 .LBB2_51-.Ltmp24, $3  }
0x244: {  	_ =	sdelay $0x1  }
0x245: {  	s23 =	sshra.s32 s21, $0x2;
	v8 =	vadd.s32 v8, v7  }
0x246: {  	s21 =	sadd.s32 $0x40, s21;
	v7 =	vld [tilespmem:s23+$0x19880];
	[tilespmem:s20+$0x18880] =	vst v8;
	s20 =	smov.u32 s23  }
0x247: {  	v8 =	vld [tilespmem:s20+$0x18880];
	s22 =	sadd.s32 $0x1, s22  }
0x248: {  	p0 =	sne.s32 s22, $0x32  }
.Ltmp25:
0x249: {  	_ = 	snop;
	(pc) =	sbr.rel @p0 .LBB2_42-.Ltmp25, $3  }
0x24a: {  	_ =	sdelay $0x1  }
0x24b: {  	v7 =	vadd.s32 v8, v7  }
0x24c: {  	[tilespmem:s20+$0x18880] =	vst v7  }
0x24d: {  	s1 =	sadd.s32 $0x1, s1  }
0x24e: {  	p0 =	sne.s32 s1, s9  }
.Ltmp26:
0x24f: {  	_ = 	snop;
	(pc) =	sbr.rel @p0 .LBB2_1-.Ltmp26, $1  }
0x250: {  	_ =	sdelay $0x3  }
0x251: {  	_ =	sfence.sel $0x180000  }
0x252: {  	[bflag:$0x0] =	sbarrier.arrive $0xFFFF  }
0x253: {  	p0 =	sne.s32 s2, $0x0;
	_ =	strace $0x90000047  }
0x254: {  	s0 =	sadd.s32 @!p0 $0x100000, s0;
	[bflag:$0x2] =	sbarrier.arrive $0xFFFF  }
0x255: {  	[sflag:s0] =	ssyncadd.tile.s32 @!p0 $0x1;
	_ =	shalt  }
.Lfunc_end2:
_tile_overlayer_lowered:
.L_overlay_start_2:
0x256: {  	(tag) =	ssettag $0x2  }
0x257: {  	s0 =	rddreg [dreg:$0x0];
	s2 =	stileid.u32  }
0x258: {  	s1 =	rddreg [dreg:$0x1];
	p0 =	sne.s32 s2, $0x0  }
0x259: {  	s3 =	rddreg [dreg:$0x2];
	[bflag:$0x3] =	sbarrier.arrive $0xFFFF;
	s2 =	simm.s32 @!p0 $0x1C01  }
0x25a: {  	[timem:s3], [sflag:s2] =	dma.local @!p0 [hbm:s0], s1  }
0x25b: {  	s0 =	simm.s32 @!p0 $0x1  }
0x25c: {  	_ =	swait.ge @!p0 [sflag:s0], s1  }
0x25d: {  	s1 =	ssub.s32 @!p0 $0x0, s1;
	[sflag:s0] =	ssyncset.done @!p0 $0x0  }
0x25e: {  	[sflag:s0] =	ssyncadd.s32 @!p0 s1  }
0x25f: {  	[bflag:$0x3] =	sbarrier.arrive $0xFFFF  }
0x260: {  	_ =	shalt  }

</sc_bundles>
